<compile_context>
chip_gen: v7x
topology: tpu7x:2x2x1
jax: 0.10.2.dev20260603
libtpu: 0.0.44.dev20260713+nightly
codegen_flags: <defaults>
</compile_context>

<pallas_src>
import functools

import jax
import jax.numpy as jnp
from jax import lax
from jax.experimental import pallas as pl
from jax.experimental.pallas import tpu as pltpu
from jax.experimental.pallas import tpu_sc as plsc

NUM_BUCKETS = 100000
HASH_DIM = 112
MODEL_DIM = 2048

_NC = 2
_NS = 16
_NW = _NC * _NS
_LANES = 16

_CHUNK = 128


def _gather_sum_sc(ids_t, ids_t1, ids_t2, emb):
    n = ids_t.shape[0]
    assert n % (_NW * _CHUNK) == 0
    per_w = n // _NW
    nchunks = per_w // _CHUNK
    mesh = plsc.VectorSubcoreMesh(core_axis_name="c", subcore_axis_name="s")

    @functools.partial(
        pl.kernel,
        out_type=jax.ShapeDtypeStruct((n, HASH_DIM), jnp.float32),
        mesh=mesh,
        scratch_types=[
            pltpu.VMEM((_CHUNK,), jnp.int32),
            pltpu.VMEM((_CHUNK,), jnp.int32),
            pltpu.VMEM((_CHUNK,), jnp.int32),
            pltpu.VMEM((_CHUNK,), jnp.int32),
            pltpu.VMEM((_CHUNK,), jnp.int32),
            pltpu.VMEM((_CHUNK,), jnp.int32),
            pltpu.VMEM((_CHUNK,), jnp.int32),
            pltpu.VMEM((_CHUNK, HASH_DIM), jnp.float32),
            pltpu.VMEM((_CHUNK, HASH_DIM), jnp.float32),
            pltpu.VMEM((_CHUNK, HASH_DIM), jnp.float32),
            pltpu.VMEM((_CHUNK, HASH_DIM), jnp.float32),
            pltpu.SemaphoreType.DMA,
        ],
        compiler_params=pltpu.CompilerParams(use_tc_tiling_on_sc=False),
    )
    def k(t_hbm, t1_hbm, t2_hbm, emb_hbm, out_hbm,
          t_v, t1_v, t2_v, i0, i1, i2, i3, b0, b1, b2, b3, sem):
        wid = lax.axis_index("s") * _NC + lax.axis_index("c")

        def chunk_body(c, carry):
            base = wid * per_w + c * _CHUNK
            pltpu.sync_copy(t_hbm.at[pl.ds(base, _CHUNK)], t_v)
            pltpu.sync_copy(t1_hbm.at[pl.ds(base, _CHUNK)], t1_v)
            pltpu.sync_copy(t2_hbm.at[pl.ds(base, _CHUNK)], t2_v)

            def hash_body(g, carry):
                s = pl.ds(g * _LANES, _LANES)
                a = t_v[s]
                b = t1_v[s]
                d = t2_v[s]
                i0[s] = lax.rem(b ^ (a * 62), NUM_BUCKETS)
                i1[s] = lax.rem(b ^ (a * 194), NUM_BUCKETS)
                i2[s] = lax.rem(d ^ (b * 34) ^ (a * 51), NUM_BUCKETS)
                i3[s] = lax.rem(d ^ (b * 106) ^ (a * 159), NUM_BUCKETS)
                return carry

            lax.fori_loop(0, _CHUNK // _LANES, hash_body, 0)

            cp0 = pltpu.async_copy(emb_hbm.at[i0], b0, sem)
            cp1 = pltpu.async_copy(emb_hbm.at[i1], b1, sem)
            cp2 = pltpu.async_copy(emb_hbm.at[i2], b2, sem)
            cp3 = pltpu.async_copy(emb_hbm.at[i3], b3, sem)
            cp0.wait()
            cp1.wait()
            cp2.wait()
            cp3.wait()

            def add_body(r, carry):
                for j in range(HASH_DIM // _LANES):
                    s = pl.ds(j * _LANES, _LANES)
                    b0[r, s] = b0[r, s] + b1[r, s] + b2[r, s] + b3[r, s]
                return carry

            lax.fori_loop(0, _CHUNK, add_body, 0)

            pltpu.sync_copy(b0, out_hbm.at[pl.ds(base, _CHUNK)])
            return carry

        lax.fori_loop(0, nchunks, chunk_body, 0)

    return k(ids_t, ids_t1, ids_t2, emb)


def _proj_tc(total, proj_wt):
    n = total.shape[0]
    bm = 512
    assert n % bm == 0

    def body(x_ref, w_ref, o_ref):
        x = x_ref[...] * 0.25
        o_ref[...] = lax.dot_general(
            x, w_ref[...], (((1,), (0,)), ((), ())),
            preferred_element_type=jnp.float32)

    return pl.pallas_call(
        body,
        grid=(n // bm,),
        in_specs=[
            pl.BlockSpec((bm, HASH_DIM), lambda i: (i, 0)),
            pl.BlockSpec((HASH_DIM, MODEL_DIM), lambda i: (0, 0)),
        ],
        out_specs=pl.BlockSpec((bm, MODEL_DIM), lambda i: (i, 0)),
        out_shape=jax.ShapeDtypeStruct((n, MODEL_DIM), jnp.float32),
    )(total, proj_wt)


def kernel(input_ids, emb, proj_w):
    bsz, seqlen = input_ids.shape
    z = jnp.zeros((bsz, 1), input_ids.dtype)
    ids_t = input_ids.reshape(-1)
    ids_t1 = jnp.concatenate([z, input_ids[:, :-1]], axis=1).reshape(-1)
    ids_t2 = jnp.concatenate([z, z, input_ids[:, :-2]], axis=1).reshape(-1)
    total = _gather_sum_sc(ids_t, ids_t1, ids_t2, emb)
    out = _proj_tc(total, proj_w.T)
    return out.reshape(bsz, seqlen, MODEL_DIM)

# --- scband reference (transcript-rebuilt; emitter-appended) ---
"""Pipeline reference for scband-engram-lite-67216238183004 (READ-ONLY COPY).

The authoritative reference and input builder live on the scoring server;
editing this copy changes nothing except your own understanding.
"""

import jax, jax.numpy as jnp
import numpy as np

NUM_BUCKETS = 100000
HASH_DIM = 112
MODEL_DIM = 2048
NUM_HEADS = 2
MAX_ORDER = 3
PRIMES = [[31, 97], [17, 53]]


def _hash_ngram(ids_list, head, order):
    prime = PRIMES[min(order - 2, len(PRIMES) - 1)][min(head, len(PRIMES[0]) - 1)]
    h = ids_list[0]
    for i in range(1, len(ids_list)):
        h = jnp.bitwise_xor(h, ids_list[i] * prime * (i + 1))
    return h % NUM_BUCKETS


def setup_inputs(seed: int = 0) -> dict:
    key = jax.random.key(seed)
    k1, k2, k3 = jax.random.split(key, 3)
    input_ids = jax.random.randint(k1, (4, 8192), 0, 50000, dtype=jnp.int32)
    emb = jax.random.normal(k2, (NUM_BUCKETS, HASH_DIM), dtype=jnp.float32) * 0.01
    proj_w = jax.random.normal(k3, (MODEL_DIM, HASH_DIM), dtype=jnp.float32) * (1.0 / np.sqrt(HASH_DIM))
    return {"input_ids": input_ids, "emb": emb, "proj_w": proj_w}


def reference(input_ids, emb, proj_w):
    bsz, seqlen = input_ids.shape
    zeros = jnp.zeros_like(input_ids[:, :1])
    ids_t = input_ids
    ids_t1 = jnp.concatenate([zeros, input_ids[:, :-1]], axis=1)
    ids_t2 = jnp.concatenate([zeros, zeros, input_ids[:, :-2]], axis=1)
    total = jnp.zeros((bsz, seqlen, HASH_DIM), dtype=emb.dtype)
    count = 0
    for order in range(2, MAX_ORDER + 1):
        if order == 2:
            ids_list = [ids_t1, ids_t]
        else:
            ids_list = [ids_t2, ids_t1, ids_t]
        for head in range(NUM_HEADS):
            h = _hash_ngram(ids_list, head, order)
            total = total + jnp.take(emb, h, axis=0)
            count += 1
    total = total / count
    return total @ proj_w.T

if __name__ == "__main__":
    import jax
    _d = setup_inputs()
    print(jax.jit(kernel)(*tuple(_d.values())))

</pallas_src>

<mosaic_0001>
#map = affine_map<(d0, d1) -> (0)>
#map1 = affine_map<(d0, d1) -> (0, 0)>
module attributes {stable_mosaic.version = 14 : i64} {
  func.func @k(%arg0: i32, %arg1: i32, %arg2: memref<32768xi32, #tpu.memory_space<hbm>>, %arg3: memref<32768xi32, #tpu.memory_space<hbm>>, %arg4: memref<32768xi32, #tpu.memory_space<hbm>>, %arg5: memref<100000x112xf32, #tpu.memory_space<hbm>>, %arg6: memref<32768x112xf32, #tpu.memory_space<hbm>>, %arg7: memref<128xi32, #tpu.memory_space<vmem>>, %arg8: memref<128xi32, #tpu.memory_space<vmem>>, %arg9: memref<128xi32, #tpu.memory_space<vmem>>, %arg10: memref<128xi32, #tpu.memory_space<vmem>>, %arg11: memref<128xi32, #tpu.memory_space<vmem>>, %arg12: memref<128xi32, #tpu.memory_space<vmem>>, %arg13: memref<128xi32, #tpu.memory_space<vmem>>, %arg14: memref<128x112xf32, #tpu.memory_space<vmem>>, %arg15: memref<128x112xf32, #tpu.memory_space<vmem>>, %arg16: memref<128x112xf32, #tpu.memory_space<vmem>>, %arg17: memref<128x112xf32, #tpu.memory_space<vmem>>, %arg18: memref<!tpu.dma_semaphore, #tpu.memory_space<semaphore_mem>>) attributes {dimension_semantics = [#tpu.dimension_semantics<core_parallel>, #tpu.dimension_semantics<subcore_parallel>], iteration_bounds = array<i64: 2, 16>, scalar_prefetch = 0 : i64, scratch_operands = 12 : i64, tpu.core_type = #tpu.core_type<sc_vector_subcore>, window_params = [{transform_indices = #map}, {transform_indices = #map}, {transform_indices = #map}, {transform_indices = #map1}, {transform_indices = #map1}]} {
    %mul3A = arith.constant 2 : i32
    %mul3A_0 = arith.muli %arg1, %mul3A : i32
    %add3A = arith.addi %mul3A_0, %arg0 : i32
    %scan3A = arith.constant 0 : i32
    %scan3A_1 = arith.constant 0 : i32
    %scan3A_2 = arith.constant 8 : i32
    %scan3A_3 = arith.addi %scan3A_1, %scan3A_2 : i32
    %scan3A_4 = arith.constant 1 : i32
    scf.for %scan3A_6 = %scan3A_1 to %scan3A_3 step %scan3A_4  : i32 {
      %mul3A_7 = arith.constant 1024 : i32
      %mul3A_8 = arith.muli %add3A, %mul3A_7 : i32
      %mul3A_9 = arith.constant 128 : i32
      %mul3A_10 = arith.muli %scan3A_6, %mul3A_9 : i32
      %add3A_11 = arith.addi %mul3A_8, %mul3A_10 : i32
      "tpu.region"() ({
        %run_scoped3A = tpu.sem_alloc : memref<!tpu.dma_semaphore, #tpu.memory_space<semaphore_mem>>
        %dma_start3A_46 = tpu.memref_slice %arg2[%add3A_11] : memref<32768xi32, #tpu.memory_space<hbm>> -> memref<128xi32, #tpu.memory_space<hbm>>
        %dma_start3A_47 = tpu.memref_slice %arg2[%add3A_11] : memref<32768xi32, #tpu.memory_space<hbm>> -> memref<128xi32, #tpu.memory_space<hbm>>
        tpu.enqueue_dma source(%dma_start3A_47 : memref<128xi32, #tpu.memory_space<hbm>>) target(%arg7 : memref<128xi32, #tpu.memory_space<vmem>>) target_semaphore(%run_scoped3A : memref<!tpu.dma_semaphore, #tpu.memory_space<semaphore_mem>>)
        %dma_wait3A_48 = tpu.memref_slice %arg2[%add3A_11] : memref<32768xi32, #tpu.memory_space<hbm>> -> memref<128xi32, #tpu.memory_space<hbm>>
        %dma_wait3A_49 = tpu.memref_slice %arg2[%add3A_11] : memref<32768xi32, #tpu.memory_space<hbm>> -> memref<128xi32, #tpu.memory_space<hbm>>
        tpu.wait_dma2 semaphore(%run_scoped3A : memref<!tpu.dma_semaphore, #tpu.memory_space<semaphore_mem>>) src(%dma_wait3A_49 : memref<128xi32, #tpu.memory_space<hbm>>) dst(%arg7 : memref<128xi32, #tpu.memory_space<vmem>>)
        tpu.yield
      }) : () -> ()
      "tpu.region"() ({
        %run_scoped3A = tpu.sem_alloc : memref<!tpu.dma_semaphore, #tpu.memory_space<semaphore_mem>>
        %dma_start3A_46 = tpu.memref_slice %arg3[%add3A_11] : memref<32768xi32, #tpu.memory_space<hbm>> -> memref<128xi32, #tpu.memory_space<hbm>>
        %dma_start3A_47 = tpu.memref_slice %arg3[%add3A_11] : memref<32768xi32, #tpu.memory_space<hbm>> -> memref<128xi32, #tpu.memory_space<hbm>>
        tpu.enqueue_dma source(%dma_start3A_47 : memref<128xi32, #tpu.memory_space<hbm>>) target(%arg8 : memref<128xi32, #tpu.memory_space<vmem>>) target_semaphore(%run_scoped3A : memref<!tpu.dma_semaphore, #tpu.memory_space<semaphore_mem>>)
        %dma_wait3A_48 = tpu.memref_slice %arg3[%add3A_11] : memref<32768xi32, #tpu.memory_space<hbm>> -> memref<128xi32, #tpu.memory_space<hbm>>
        %dma_wait3A_49 = tpu.memref_slice %arg3[%add3A_11] : memref<32768xi32, #tpu.memory_space<hbm>> -> memref<128xi32, #tpu.memory_space<hbm>>
        tpu.wait_dma2 semaphore(%run_scoped3A : memref<!tpu.dma_semaphore, #tpu.memory_space<semaphore_mem>>) src(%dma_wait3A_49 : memref<128xi32, #tpu.memory_space<hbm>>) dst(%arg8 : memref<128xi32, #tpu.memory_space<vmem>>)
        tpu.yield
      }) : () -> ()
      "tpu.region"() ({
        %run_scoped3A = tpu.sem_alloc : memref<!tpu.dma_semaphore, #tpu.memory_space<semaphore_mem>>
        %dma_start3A_46 = tpu.memref_slice %arg4[%add3A_11] : memref<32768xi32, #tpu.memory_space<hbm>> -> memref<128xi32, #tpu.memory_space<hbm>>
        %dma_start3A_47 = tpu.memref_slice %arg4[%add3A_11] : memref<32768xi32, #tpu.memory_space<hbm>> -> memref<128xi32, #tpu.memory_space<hbm>>
        tpu.enqueue_dma source(%dma_start3A_47 : memref<128xi32, #tpu.memory_space<hbm>>) target(%arg9 : memref<128xi32, #tpu.memory_space<vmem>>) target_semaphore(%run_scoped3A : memref<!tpu.dma_semaphore, #tpu.memory_space<semaphore_mem>>)
        %dma_wait3A_48 = tpu.memref_slice %arg4[%add3A_11] : memref<32768xi32, #tpu.memory_space<hbm>> -> memref<128xi32, #tpu.memory_space<hbm>>
        %dma_wait3A_49 = tpu.memref_slice %arg4[%add3A_11] : memref<32768xi32, #tpu.memory_space<hbm>> -> memref<128xi32, #tpu.memory_space<hbm>>
        tpu.wait_dma2 semaphore(%run_scoped3A : memref<!tpu.dma_semaphore, #tpu.memory_space<semaphore_mem>>) src(%dma_wait3A_49 : memref<128xi32, #tpu.memory_space<hbm>>) dst(%arg9 : memref<128xi32, #tpu.memory_space<vmem>>)
        tpu.yield
      }) : () -> ()
      %scan3A_12 = arith.constant 0 : i32
      %scan3A_13 = arith.constant 0 : i32
      %scan3A_14 = arith.constant 8 : i32
      %scan3A_15 = arith.addi %scan3A_13, %scan3A_14 : i32
      %scan3A_16 = arith.constant 1 : i32
      scf.for %scan3A_46 = %scan3A_13 to %scan3A_15 step %scan3A_16  : i32 {
        %mul3A_47 = arith.constant 16 : i32
        %mul3A_48 = arith.muli %scan3A_46, %mul3A_47 : i32
        %get3A = arith.index_cast %mul3A_48 : i32 to index
        %get3A_49 = tpu.vector_load %arg7[%get3A] {strides = array<i32>} : memref<128xi32, #tpu.memory_space<vmem>>, vector<16xi32>,
        %get3A_50 = vector.shape_cast %get3A_49 : vector<16xi32> to vector<16xi32>
        %get3A_51 = arith.index_cast %mul3A_48 : i32 to index
        %get3A_52 = tpu.vector_load %arg8[%get3A_51] {strides = array<i32>} : memref<128xi32, #tpu.memory_space<vmem>>, vector<16xi32>,
        %get3A_53 = vector.shape_cast %get3A_52 : vector<16xi32> to vector<16xi32>
        %get3A_54 = arith.index_cast %mul3A_48 : i32 to index
        %get3A_55 = tpu.vector_load %arg9[%get3A_54] {strides = array<i32>} : memref<128xi32, #tpu.memory_space<vmem>>, vector<16xi32>,
        %get3A_56 = vector.shape_cast %get3A_55 : vector<16xi32> to vector<16xi32>
        %mul3A_57 = arith.constant 62 : i32
        %mul3A_58 = vector.broadcast %mul3A_57 : i32 to vector<16xi32>
        %mul3A_59 = arith.muli %get3A_50, %mul3A_58 : vector<16xi32>
        %xor3A = arith.xori %get3A_53, %mul3A_59 : vector<16xi32>
        %rem3A = arith.constant 100000 : i32
        %rem3A_60 = vector.broadcast %rem3A : i32 to vector<16xi32>
        %rem3A_61 = arith.remsi %xor3A, %rem3A_60 : vector<16xi32>
        %swap3A = arith.index_cast %mul3A_48 : i32 to index
        %swap3A_62 = tpu.vector_load %arg10[%swap3A] {strides = array<i32>} : memref<128xi32, #tpu.memory_space<vmem>>, vector<16xi32>,
        %swap3A_63 = vector.shape_cast %swap3A_62 : vector<16xi32> to vector<16xi32>
        %swap3A_64 = vector.shape_cast %rem3A_61 : vector<16xi32> to vector<16xi32>
        tpu.vector_store %arg10[%swap3A], %swap3A_64 {strides = array<i32>} : memref<128xi32, #tpu.memory_space<vmem>>, vector<16xi32>,
        %mul3A_65 = arith.constant 194 : i32
        %mul3A_66 = vector.broadcast %mul3A_65 : i32 to vector<16xi32>
        %mul3A_67 = arith.muli %get3A_50, %mul3A_66 : vector<16xi32>
        %xor3A_68 = arith.xori %get3A_53, %mul3A_67 : vector<16xi32>
        %rem3A_69 = arith.constant 100000 : i32
        %rem3A_70 = vector.broadcast %rem3A_69 : i32 to vector<16xi32>
        %rem3A_71 = arith.remsi %xor3A_68, %rem3A_70 : vector<16xi32>
        %swap3A_72 = arith.index_cast %mul3A_48 : i32 to index
        %swap3A_73 = tpu.vector_load %arg11[%swap3A_72] {strides = array<i32>} : memref<128xi32, #tpu.memory_space<vmem>>, vector<16xi32>,
        %swap3A_74 = vector.shape_cast %swap3A_73 : vector<16xi32> to vector<16xi32>
        %swap3A_75 = vector.shape_cast %rem3A_71 : vector<16xi32> to vector<16xi32>
        tpu.vector_store %arg11[%swap3A_72], %swap3A_75 {strides = array<i32>} : memref<128xi32, #tpu.memory_space<vmem>>, vector<16xi32>,
        %mul3A_76 = arith.constant 34 : i32
        %mul3A_77 = vector.broadcast %mul3A_76 : i32 to vector<16xi32>
        %mul3A_78 = arith.muli %get3A_53, %mul3A_77 : vector<16xi32>
        %xor3A_79 = arith.xori %get3A_56, %mul3A_78 : vector<16xi32>
        %mul3A_80 = arith.constant 51 : i32
        %mul3A_81 = vector.broadcast %mul3A_80 : i32 to vector<16xi32>
        %mul3A_82 = arith.muli %get3A_50, %mul3A_81 : vector<16xi32>
        %xor3A_83 = arith.xori %xor3A_79, %mul3A_82 : vector<16xi32>
        %rem3A_84 = arith.constant 100000 : i32
        %rem3A_85 = vector.broadcast %rem3A_84 : i32 to vector<16xi32>
        %rem3A_86 = arith.remsi %xor3A_83, %rem3A_85 : vector<16xi32>
        %swap3A_87 = arith.index_cast %mul3A_48 : i32 to index
        %swap3A_88 = tpu.vector_load %arg12[%swap3A_87] {strides = array<i32>} : memref<128xi32, #tpu.memory_space<vmem>>, vector<16xi32>,
        %swap3A_89 = vector.shape_cast %swap3A_88 : vector<16xi32> to vector<16xi32>
        %swap3A_90 = vector.shape_cast %rem3A_86 : vector<16xi32> to vector<16xi32>
        tpu.vector_store %arg12[%swap3A_87], %swap3A_90 {strides = array<i32>} : memref<128xi32, #tpu.memory_space<vmem>>, vector<16xi32>,
        %mul3A_91 = arith.constant 106 : i32
        %mul3A_92 = vector.broadcast %mul3A_91 : i32 to vector<16xi32>
        %mul3A_93 = arith.muli %get3A_53, %mul3A_92 : vector<16xi32>
        %xor3A_94 = arith.xori %get3A_56, %mul3A_93 : vector<16xi32>
        %mul3A_95 = arith.constant 159 : i32
        %mul3A_96 = vector.broadcast %mul3A_95 : i32 to vector<16xi32>
        %mul3A_97 = arith.muli %get3A_50, %mul3A_96 : vector<16xi32>
        %xor3A_98 = arith.xori %xor3A_94, %mul3A_97 : vector<16xi32>
        %rem3A_99 = arith.constant 100000 : i32
        %rem3A_100 = vector.broadcast %rem3A_99 : i32 to vector<16xi32>
        %rem3A_101 = arith.remsi %xor3A_98, %rem3A_100 : vector<16xi32>
        %swap3A_102 = arith.index_cast %mul3A_48 : i32 to index
        %swap3A_103 = tpu.vector_load %arg13[%swap3A_102] {strides = array<i32>} : memref<128xi32, #tpu.memory_space<vmem>>, vector<16xi32>,
        %swap3A_104 = vector.shape_cast %swap3A_103 : vector<16xi32> to vector<16xi32>
        %swap3A_105 = vector.shape_cast %rem3A_101 : vector<16xi32> to vector<16xi32>
        tpu.vector_store %arg13[%swap3A_102], %swap3A_105 {strides = array<i32>} : memref<128xi32, #tpu.memory_space<vmem>>, vector<16xi32>,
      }
      %scan3A_17 = arith.constant 8 : i32
      %dma_start3A = arith.constant 0 : i32
      %dma_start3A_18 = arith.constant 0 : i32
      %dma_start3A_19 = tpu.memref_slice %arg5[%dma_start3A, %dma_start3A_18] : memref<100000x112xf32, #tpu.memory_space<hbm>> -> memref<100000x112xf32, #tpu.memory_space<hbm>>
      tpu.enqueue_indirect_dma source(%dma_start3A_19 : memref<100000x112xf32, #tpu.memory_space<hbm>>) target(%arg14 : memref<128x112xf32, #tpu.memory_space<vmem>>) offsets(%arg10 : memref<128xi32, #tpu.memory_space<vmem>>) semaphore(%arg18 : memref<!tpu.dma_semaphore, #tpu.memory_space<semaphore_mem>>)
      %dma_start3A_20 = arith.constant 0 : i32
      %dma_start3A_21 = arith.constant 0 : i32
      %dma_start3A_22 = tpu.memref_slice %arg5[%dma_start3A_20, %dma_start3A_21] : memref<100000x112xf32, #tpu.memory_space<hbm>> -> memref<100000x112xf32, #tpu.memory_space<hbm>>
      tpu.enqueue_indirect_dma source(%dma_start3A_22 : memref<100000x112xf32, #tpu.memory_space<hbm>>) target(%arg15 : memref<128x112xf32, #tpu.memory_space<vmem>>) offsets(%arg11 : memref<128xi32, #tpu.memory_space<vmem>>) semaphore(%arg18 : memref<!tpu.dma_semaphore, #tpu.memory_space<semaphore_mem>>)
      %dma_start3A_23 = arith.constant 0 : i32
      %dma_start3A_24 = arith.constant 0 : i32
      %dma_start3A_25 = tpu.memref_slice %arg5[%dma_start3A_23, %dma_start3A_24] : memref<100000x112xf32, #tpu.memory_space<hbm>> -> memref<100000x112xf32, #tpu.memory_space<hbm>>
      tpu.enqueue_indirect_dma source(%dma_start3A_25 : memref<100000x112xf32, #tpu.memory_space<hbm>>) target(%arg16 : memref<128x112xf32, #tpu.memory_space<vmem>>) offsets(%arg12 : memref<128xi32, #tpu.memory_space<vmem>>) semaphore(%arg18 : memref<!tpu.dma_semaphore, #tpu.memory_space<semaphore_mem>>)
      %dma_start3A_26 = arith.constant 0 : i32
      %dma_start3A_27 = arith.constant 0 : i32
      %dma_start3A_28 = tpu.memref_slice %arg5[%dma_start3A_26, %dma_start3A_27] : memref<100000x112xf32, #tpu.memory_space<hbm>> -> memref<100000x112xf32, #tpu.memory_space<hbm>>
      tpu.enqueue_indirect_dma source(%dma_start3A_28 : memref<100000x112xf32, #tpu.memory_space<hbm>>) target(%arg17 : memref<128x112xf32, #tpu.memory_space<vmem>>) offsets(%arg13 : memref<128xi32, #tpu.memory_space<vmem>>) semaphore(%arg18 : memref<!tpu.dma_semaphore, #tpu.memory_space<semaphore_mem>>)
      %dma_wait3A = arith.constant 0 : i32
      %dma_wait3A_29 = arith.constant 0 : i32
      %dma_wait3A_30 = tpu.memref_slice %arg5[%dma_wait3A, %dma_wait3A_29] : memref<100000x112xf32, #tpu.memory_space<hbm>> -> memref<100000x112xf32, #tpu.memory_space<hbm>>
      tpu.wait_indirect_dma semaphore(%arg18 : memref<!tpu.dma_semaphore, #tpu.memory_space<semaphore_mem>>) src(%dma_wait3A_30 : memref<100000x112xf32, #tpu.memory_space<hbm>>) dst(%arg14 : memref<128x112xf32, #tpu.memory_space<vmem>>)
      %dma_wait3A_31 = arith.constant 0 : i32
      %dma_wait3A_32 = arith.constant 0 : i32
      %dma_wait3A_33 = tpu.memref_slice %arg5[%dma_wait3A_31, %dma_wait3A_32] : memref<100000x112xf32, #tpu.memory_space<hbm>> -> memref<100000x112xf32, #tpu.memory_space<hbm>>
      tpu.wait_indirect_dma semaphore(%arg18 : memref<!tpu.dma_semaphore, #tpu.memory_space<semaphore_mem>>) src(%dma_wait3A_33 : memref<100000x112xf32, #tpu.memory_space<hbm>>) dst(%arg15 : memref<128x112xf32, #tpu.memory_space<vmem>>)
      %dma_wait3A_34 = arith.constant 0 : i32
      %dma_wait3A_35 = arith.constant 0 : i32
      %dma_wait3A_36 = tpu.memref_slice %arg5[%dma_wait3A_34, %dma_wait3A_35] : memref<100000x112xf32, #tpu.memory_space<hbm>> -> memref<100000x112xf32, #tpu.memory_space<hbm>>
      tpu.wait_indirect_dma semaphore(%arg18 : memref<!tpu.dma_semaphore, #tpu.memory_space<semaphore_mem>>) src(%dma_wait3A_36 : memref<100000x112xf32, #tpu.memory_space<hbm>>) dst(%arg16 : memref<128x112xf32, #tpu.memory_space<vmem>>)
      %dma_wait3A_37 = arith.constant 0 : i32
      %dma_wait3A_38 = arith.constant 0 : i32
      %dma_wait3A_39 = tpu.memref_slice %arg5[%dma_wait3A_37, %dma_wait3A_38] : memref<100000x112xf32, #tpu.memory_space<hbm>> -> memref<100000x112xf32, #tpu.memory_space<hbm>>
      tpu.wait_indirect_dma semaphore(%arg18 : memref<!tpu.dma_semaphore, #tpu.memory_space<semaphore_mem>>) src(%dma_wait3A_39 : memref<100000x112xf32, #tpu.memory_space<hbm>>) dst(%arg17 : memref<128x112xf32, #tpu.memory_space<vmem>>)
      %scan3A_40 = arith.constant 0 : i32
      %scan3A_41 = arith.constant 0 : i32
      %scan3A_42 = arith.constant 128 : i32
      %scan3A_43 = arith.addi %scan3A_41, %scan3A_42 : i32
      %scan3A_44 = arith.constant 1 : i32
      scf.for %scan3A_46 = %scan3A_41 to %scan3A_43 step %scan3A_44  : i32 {
        %get3A = arith.index_cast %scan3A_46 : i32 to index
        %get3A_47 = arith.constant 0 : index
        %get3A_48 = tpu.vector_load %arg14[%get3A, %get3A_47] {strides = array<i32>} : memref<128x112xf32, #tpu.memory_space<vmem>>, vector<1x16xf32>,
        %get3A_49 = vector.shape_cast %get3A_48 : vector<1x16xf32> to vector<16xf32>
        %get3A_50 = arith.index_cast %scan3A_46 : i32 to index
        %get3A_51 = arith.constant 0 : index
        %get3A_52 = tpu.vector_load %arg15[%get3A_50, %get3A_51] {strides = array<i32>} : memref<128x112xf32, #tpu.memory_space<vmem>>, vector<1x16xf32>,
        %get3A_53 = vector.shape_cast %get3A_52 : vector<1x16xf32> to vector<16xf32>
        %add3A_54 = arith.addf %get3A_49, %get3A_53 : vector<16xf32>
        %get3A_55 = arith.index_cast %scan3A_46 : i32 to index
        %get3A_56 = arith.constant 0 : index
        %get3A_57 = tpu.vector_load %arg16[%get3A_55, %get3A_56] {strides = array<i32>} : memref<128x112xf32, #tpu.memory_space<vmem>>, vector<1x16xf32>,
        %get3A_58 = vector.shape_cast %get3A_57 : vector<1x16xf32> to vector<16xf32>
        %add3A_59 = arith.addf %add3A_54, %get3A_58 : vector<16xf32>
        %get3A_60 = arith.index_cast %scan3A_46 : i32 to index
        %get3A_61 = arith.constant 0 : index
        %get3A_62 = tpu.vector_load %arg17[%get3A_60, %get3A_61] {strides = array<i32>} : memref<128x112xf32, #tpu.memory_space<vmem>>, vector<1x16xf32>,
        %get3A_63 = vector.shape_cast %get3A_62 : vector<1x16xf32> to vector<16xf32>
        %add3A_64 = arith.addf %add3A_59, %get3A_63 : vector<16xf32>
        %swap3A = arith.index_cast %scan3A_46 : i32 to index
        %swap3A_65 = arith.constant 0 : index
        %swap3A_66 = tpu.vector_load %arg14[%swap3A, %swap3A_65] {strides = array<i32>} : memref<128x112xf32, #tpu.memory_space<vmem>>, vector<1x16xf32>,
        %swap3A_67 = vector.shape_cast %swap3A_66 : vector<1x16xf32> to vector<16xf32>
        %swap3A_68 = vector.shape_cast %add3A_64 : vector<16xf32> to vector<1x16xf32>
        tpu.vector_store %arg14[%swap3A, %swap3A_65], %swap3A_68 {strides = array<i32>} : memref<128x112xf32, #tpu.memory_space<vmem>>, vector<1x16xf32>,
        %get3A_69 = arith.index_cast %scan3A_46 : i32 to index
        %get3A_70 = arith.constant 16 : index
        %get3A_71 = tpu.vector_load %arg14[%get3A_69, %get3A_70] {strides = array<i32>} : memref<128x112xf32, #tpu.memory_space<vmem>>, vector<1x16xf32>,
        %get3A_72 = vector.shape_cast %get3A_71 : vector<1x16xf32> to vector<16xf32>
        %get3A_73 = arith.index_cast %scan3A_46 : i32 to index
        %get3A_74 = arith.constant 16 : index
        %get3A_75 = tpu.vector_load %arg15[%get3A_73, %get3A_74] {strides = array<i32>} : memref<128x112xf32, #tpu.memory_space<vmem>>, vector<1x16xf32>,
        %get3A_76 = vector.shape_cast %get3A_75 : vector<1x16xf32> to vector<16xf32>
        %add3A_77 = arith.addf %get3A_72, %get3A_76 : vector<16xf32>
        %get3A_78 = arith.index_cast %scan3A_46 : i32 to index
        %get3A_79 = arith.constant 16 : index
        %get3A_80 = tpu.vector_load %arg16[%get3A_78, %get3A_79] {strides = array<i32>} : memref<128x112xf32, #tpu.memory_space<vmem>>, vector<1x16xf32>,
        %get3A_81 = vector.shape_cast %get3A_80 : vector<1x16xf32> to vector<16xf32>
        %add3A_82 = arith.addf %add3A_77, %get3A_81 : vector<16xf32>
        %get3A_83 = arith.index_cast %scan3A_46 : i32 to index
        %get3A_84 = arith.constant 16 : index
        %get3A_85 = tpu.vector_load %arg17[%get3A_83, %get3A_84] {strides = array<i32>} : memref<128x112xf32, #tpu.memory_space<vmem>>, vector<1x16xf32>,
        %get3A_86 = vector.shape_cast %get3A_85 : vector<1x16xf32> to vector<16xf32>
        %add3A_87 = arith.addf %add3A_82, %get3A_86 : vector<16xf32>
        %swap3A_88 = arith.index_cast %scan3A_46 : i32 to index
        %swap3A_89 = arith.constant 16 : index
        %swap3A_90 = tpu.vector_load %arg14[%swap3A_88, %swap3A_89] {strides = array<i32>} : memref<128x112xf32, #tpu.memory_space<vmem>>, vector<1x16xf32>,
        %swap3A_91 = vector.shape_cast %swap3A_90 : vector<1x16xf32> to vector<16xf32>
        %swap3A_92 = vector.shape_cast %add3A_87 : vector<16xf32> to vector<1x16xf32>
        tpu.vector_store %arg14[%swap3A_88, %swap3A_89], %swap3A_92 {strides = array<i32>} : memref<128x112xf32, #tpu.memory_space<vmem>>, vector<1x16xf32>,
        %get3A_93 = arith.index_cast %scan3A_46 : i32 to index
        %get3A_94 = arith.constant 32 : index
        %get3A_95 = tpu.vector_load %arg14[%get3A_93, %get3A_94] {strides = array<i32>} : memref<128x112xf32, #tpu.memory_space<vmem>>, vector<1x16xf32>,
        %get3A_96 = vector.shape_cast %get3A_95 : vector<1x16xf32> to vector<16xf32>
        %get3A_97 = arith.index_cast %scan3A_46 : i32 to index
        %get3A_98 = arith.constant 32 : index
        %get3A_99 = tpu.vector_load %arg15[%get3A_97, %get3A_98] {strides = array<i32>} : memref<128x112xf32, #tpu.memory_space<vmem>>, vector<1x16xf32>,
        %get3A_100 = vector.shape_cast %get3A_99 : vector<1x16xf32> to vector<16xf32>
        %add3A_101 = arith.addf %get3A_96, %get3A_100 : vector<16xf32>
        %get3A_102 = arith.index_cast %scan3A_46 : i32 to index
        %get3A_103 = arith.constant 32 : index
        %get3A_104 = tpu.vector_load %arg16[%get3A_102, %get3A_103] {strides = array<i32>} : memref<128x112xf32, #tpu.memory_space<vmem>>, vector<1x16xf32>,
        %get3A_105 = vector.shape_cast %get3A_104 : vector<1x16xf32> to vector<16xf32>
        %add3A_106 = arith.addf %add3A_101, %get3A_105 : vector<16xf32>
        %get3A_107 = arith.index_cast %scan3A_46 : i32 to index
        %get3A_108 = arith.constant 32 : index
        %get3A_109 = tpu.vector_load %arg17[%get3A_107, %get3A_108] {strides = array<i32>} : memref<128x112xf32, #tpu.memory_space<vmem>>, vector<1x16xf32>,
        %get3A_110 = vector.shape_cast %get3A_109 : vector<1x16xf32> to vector<16xf32>
        %add3A_111 = arith.addf %add3A_106, %get3A_110 : vector<16xf32>
        %swap3A_112 = arith.index_cast %scan3A_46 : i32 to index
        %swap3A_113 = arith.constant 32 : index
        %swap3A_114 = tpu.vector_load %arg14[%swap3A_112, %swap3A_113] {strides = array<i32>} : memref<128x112xf32, #tpu.memory_space<vmem>>, vector<1x16xf32>,
        %swap3A_115 = vector.shape_cast %swap3A_114 : vector<1x16xf32> to vector<16xf32>
        %swap3A_116 = vector.shape_cast %add3A_111 : vector<16xf32> to vector<1x16xf32>
        tpu.vector_store %arg14[%swap3A_112, %swap3A_113], %swap3A_116 {strides = array<i32>} : memref<128x112xf32, #tpu.memory_space<vmem>>, vector<1x16xf32>,
        %get3A_117 = arith.index_cast %scan3A_46 : i32 to index
        %get3A_118 = arith.constant 48 : index
        %get3A_119 = tpu.vector_load %arg14[%get3A_117, %get3A_118] {strides = array<i32>} : memref<128x112xf32, #tpu.memory_space<vmem>>, vector<1x16xf32>,
        %get3A_120 = vector.shape_cast %get3A_119 : vector<1x16xf32> to vector<16xf32>
        %get3A_121 = arith.index_cast %scan3A_46 : i32 to index
        %get3A_122 = arith.constant 48 : index
        %get3A_123 = tpu.vector_load %arg15[%get3A_121, %get3A_122] {strides = array<i32>} : memref<128x112xf32, #tpu.memory_space<vmem>>, vector<1x16xf32>,
        %get3A_124 = vector.shape_cast %get3A_123 : vector<1x16xf32> to vector<16xf32>
        %add3A_125 = arith.addf %get3A_120, %get3A_124 : vector<16xf32>
        %get3A_126 = arith.index_cast %scan3A_46 : i32 to index
        %get3A_127 = arith.constant 48 : index
        %get3A_128 = tpu.vector_load %arg16[%get3A_126, %get3A_127] {strides = array<i32>} : memref<128x112xf32, #tpu.memory_space<vmem>>, vector<1x16xf32>,
        %get3A_129 = vector.shape_cast %get3A_128 : vector<1x16xf32> to vector<16xf32>
        %add3A_130 = arith.addf %add3A_125, %get3A_129 : vector<16xf32>
        %get3A_131 = arith.index_cast %scan3A_46 : i32 to index
        %get3A_132 = arith.constant 48 : index
        %get3A_133 = tpu.vector_load %arg17[%get3A_131, %get3A_132] {strides = array<i32>} : memref<128x112xf32, #tpu.memory_space<vmem>>, vector<1x16xf32>,
        %get3A_134 = vector.shape_cast %get3A_133 : vector<1x16xf32> to vector<16xf32>
        %add3A_135 = arith.addf %add3A_130, %get3A_134 : vector<16xf32>
        %swap3A_136 = arith.index_cast %scan3A_46 : i32 to index
        %swap3A_137 = arith.constant 48 : index
        %swap3A_138 = tpu.vector_load %arg14[%swap3A_136, %swap3A_137] {strides = array<i32>} : memref<128x112xf32, #tpu.memory_space<vmem>>, vector<1x16xf32>,
        %swap3A_139 = vector.shape_cast %swap3A_138 : vector<1x16xf32> to vector<16xf32>
        %swap3A_140 = vector.shape_cast %add3A_135 : vector<16xf32> to vector<1x16xf32>
        tpu.vector_store %arg14[%swap3A_136, %swap3A_137], %swap3A_140 {strides = array<i32>} : memref<128x112xf32, #tpu.memory_space<vmem>>, vector<1x16xf32>,
        %get3A_141 = arith.index_cast %scan3A_46 : i32 to index
        %get3A_142 = arith.constant 64 : index
        %get3A_143 = tpu.vector_load %arg14[%get3A_141, %get3A_142] {strides = array<i32>} : memref<128x112xf32, #tpu.memory_space<vmem>>, vector<1x16xf32>,
        %get3A_144 = vector.shape_cast %get3A_143 : vector<1x16xf32> to vector<16xf32>
        %get3A_145 = arith.index_cast %scan3A_46 : i32 to index
        %get3A_146 = arith.constant 64 : index
        %get3A_147 = tpu.vector_load %arg15[%get3A_145, %get3A_146] {strides = array<i32>} : memref<128x112xf32, #tpu.memory_space<vmem>>, vector<1x16xf32>,
        %get3A_148 = vector.shape_cast %get3A_147 : vector<1x16xf32> to vector<16xf32>
        %add3A_149 = arith.addf %get3A_144, %get3A_148 : vector<16xf32>
        %get3A_150 = arith.index_cast %scan3A_46 : i32 to index
        %get3A_151 = arith.constant 64 : index
        %get3A_152 = tpu.vector_load %arg16[%get3A_150, %get3A_151] {strides = array<i32>} : memref<128x112xf32, #tpu.memory_space<vmem>>, vector<1x16xf32>,
        %get3A_153 = vector.shape_cast %get3A_152 : vector<1x16xf32> to vector<16xf32>
        %add3A_154 = arith.addf %add3A_149, %get3A_153 : vector<16xf32>
        %get3A_155 = arith.index_cast %scan3A_46 : i32 to index
        %get3A_156 = arith.constant 64 : index
        %get3A_157 = tpu.vector_load %arg17[%get3A_155, %get3A_156] {strides = array<i32>} : memref<128x112xf32, #tpu.memory_space<vmem>>, vector<1x16xf32>,
        %get3A_158 = vector.shape_cast %get3A_157 : vector<1x16xf32> to vector<16xf32>
        %add3A_159 = arith.addf %add3A_154, %get3A_158 : vector<16xf32>
        %swap3A_160 = arith.index_cast %scan3A_46 : i32 to index
        %swap3A_161 = arith.constant 64 : index
        %swap3A_162 = tpu.vector_load %arg14[%swap3A_160, %swap3A_161] {strides = array<i32>} : memref<128x112xf32, #tpu.memory_space<vmem>>, vector<1x16xf32>,
        %swap3A_163 = vector.shape_cast %swap3A_162 : vector<1x16xf32> to vector<16xf32>
        %swap3A_164 = vector.shape_cast %add3A_159 : vector<16xf32> to vector<1x16xf32>
        tpu.vector_store %arg14[%swap3A_160, %swap3A_161], %swap3A_164 {strides = array<i32>} : memref<128x112xf32, #tpu.memory_space<vmem>>, vector<1x16xf32>,
        %get3A_165 = arith.index_cast %scan3A_46 : i32 to index
        %get3A_166 = arith.constant 80 : index
        %get3A_167 = tpu.vector_load %arg14[%get3A_165, %get3A_166] {strides = array<i32>} : memref<128x112xf32, #tpu.memory_space<vmem>>, vector<1x16xf32>,
        %get3A_168 = vector.shape_cast %get3A_167 : vector<1x16xf32> to vector<16xf32>
        %get3A_169 = arith.index_cast %scan3A_46 : i32 to index
        %get3A_170 = arith.constant 80 : index
        %get3A_171 = tpu.vector_load %arg15[%get3A_169, %get3A_170] {strides = array<i32>} : memref<128x112xf32, #tpu.memory_space<vmem>>, vector<1x16xf32>,
        %get3A_172 = vector.shape_cast %get3A_171 : vector<1x16xf32> to vector<16xf32>
        %add3A_173 = arith.addf %get3A_168, %get3A_172 : vector<16xf32>
        %get3A_174 = arith.index_cast %scan3A_46 : i32 to index
        %get3A_175 = arith.constant 80 : index
        %get3A_176 = tpu.vector_load %arg16[%get3A_174, %get3A_175] {strides = array<i32>} : memref<128x112xf32, #tpu.memory_space<vmem>>, vector<1x16xf32>,
        %get3A_177 = vector.shape_cast %get3A_176 : vector<1x16xf32> to vector<16xf32>
        %add3A_178 = arith.addf %add3A_173, %get3A_177 : vector<16xf32>
        %get3A_179 = arith.index_cast %scan3A_46 : i32 to index
        %get3A_180 = arith.constant 80 : index
        %get3A_181 = tpu.vector_load %arg17[%get3A_179, %get3A_180] {strides = array<i32>} : memref<128x112xf32, #tpu.memory_space<vmem>>, vector<1x16xf32>,
        %get3A_182 = vector.shape_cast %get3A_181 : vector<1x16xf32> to vector<16xf32>
        %add3A_183 = arith.addf %add3A_178, %get3A_182 : vector<16xf32>
        %swap3A_184 = arith.index_cast %scan3A_46 : i32 to index
        %swap3A_185 = arith.constant 80 : index
        %swap3A_186 = tpu.vector_load %arg14[%swap3A_184, %swap3A_185] {strides = array<i32>} : memref<128x112xf32, #tpu.memory_space<vmem>>, vector<1x16xf32>,
        %swap3A_187 = vector.shape_cast %swap3A_186 : vector<1x16xf32> to vector<16xf32>
        %swap3A_188 = vector.shape_cast %add3A_183 : vector<16xf32> to vector<1x16xf32>
        tpu.vector_store %arg14[%swap3A_184, %swap3A_185], %swap3A_188 {strides = array<i32>} : memref<128x112xf32, #tpu.memory_space<vmem>>, vector<1x16xf32>,
        %get3A_189 = arith.index_cast %scan3A_46 : i32 to index
        %get3A_190 = arith.constant 96 : index
        %get3A_191 = tpu.vector_load %arg14[%get3A_189, %get3A_190] {strides = array<i32>} : memref<128x112xf32, #tpu.memory_space<vmem>>, vector<1x16xf32>,
        %get3A_192 = vector.shape_cast %get3A_191 : vector<1x16xf32> to vector<16xf32>
        %get3A_193 = arith.index_cast %scan3A_46 : i32 to index
        %get3A_194 = arith.constant 96 : index
        %get3A_195 = tpu.vector_load %arg15[%get3A_193, %get3A_194] {strides = array<i32>} : memref<128x112xf32, #tpu.memory_space<vmem>>, vector<1x16xf32>,
        %get3A_196 = vector.shape_cast %get3A_195 : vector<1x16xf32> to vector<16xf32>
        %add3A_197 = arith.addf %get3A_192, %get3A_196 : vector<16xf32>
        %get3A_198 = arith.index_cast %scan3A_46 : i32 to index
        %get3A_199 = arith.constant 96 : index
        %get3A_200 = tpu.vector_load %arg16[%get3A_198, %get3A_199] {strides = array<i32>} : memref<128x112xf32, #tpu.memory_space<vmem>>, vector<1x16xf32>,
        %get3A_201 = vector.shape_cast %get3A_200 : vector<1x16xf32> to vector<16xf32>
        %add3A_202 = arith.addf %add3A_197, %get3A_201 : vector<16xf32>
        %get3A_203 = arith.index_cast %scan3A_46 : i32 to index
        %get3A_204 = arith.constant 96 : index
        %get3A_205 = tpu.vector_load %arg17[%get3A_203, %get3A_204] {strides = array<i32>} : memref<128x112xf32, #tpu.memory_space<vmem>>, vector<1x16xf32>,
        %get3A_206 = vector.shape_cast %get3A_205 : vector<1x16xf32> to vector<16xf32>
        %add3A_207 = arith.addf %add3A_202, %get3A_206 : vector<16xf32>
        %swap3A_208 = arith.index_cast %scan3A_46 : i32 to index
        %swap3A_209 = arith.constant 96 : index
        %swap3A_210 = tpu.vector_load %arg14[%swap3A_208, %swap3A_209] {strides = array<i32>} : memref<128x112xf32, #tpu.memory_space<vmem>>, vector<1x16xf32>,
        %swap3A_211 = vector.shape_cast %swap3A_210 : vector<1x16xf32> to vector<16xf32>
        %swap3A_212 = vector.shape_cast %add3A_207 : vector<16xf32> to vector<1x16xf32>
        tpu.vector_store %arg14[%swap3A_208, %swap3A_209], %swap3A_212 {strides = array<i32>} : memref<128x112xf32, #tpu.memory_space<vmem>>, vector<1x16xf32>,
      }
      %scan3A_45 = arith.constant 128 : i32
      "tpu.region"() ({
        %run_scoped3A = tpu.sem_alloc : memref<!tpu.dma_semaphore, #tpu.memory_space<semaphore_mem>>
        %dma_start3A_46 = arith.constant 0 : i32
        %dma_start3A_47 = tpu.memref_slice %arg6[%add3A_11, %dma_start3A_46] : memref<32768x112xf32, #tpu.memory_space<hbm>> -> memref<128x112xf32, #tpu.memory_space<hbm>>
        %dma_start3A_48 = arith.constant 0 : i32
        %dma_start3A_49 = tpu.memref_slice %arg6[%add3A_11, %dma_start3A_48] : memref<32768x112xf32, #tpu.memory_space<hbm>> -> memref<128x112xf32, #tpu.memory_space<hbm>>
        tpu.enqueue_dma source(%arg14 : memref<128x112xf32, #tpu.memory_space<vmem>>) target(%dma_start3A_49 : memref<128x112xf32, #tpu.memory_space<hbm>>) target_semaphore(%run_scoped3A : memref<!tpu.dma_semaphore, #tpu.memory_space<semaphore_mem>>)
        %dma_wait3A_50 = arith.constant 0 : i32
        %dma_wait3A_51 = tpu.memref_slice %arg6[%add3A_11, %dma_wait3A_50] : memref<32768x112xf32, #tpu.memory_space<hbm>> -> memref<128x112xf32, #tpu.memory_space<hbm>>
        %dma_wait3A_52 = arith.constant 0 : i32
        %dma_wait3A_53 = tpu.memref_slice %arg6[%add3A_11, %dma_wait3A_52] : memref<32768x112xf32, #tpu.memory_space<hbm>> -> memref<128x112xf32, #tpu.memory_space<hbm>>
        tpu.wait_dma2 semaphore(%run_scoped3A : memref<!tpu.dma_semaphore, #tpu.memory_space<semaphore_mem>>) src(%arg14 : memref<128x112xf32, #tpu.memory_space<vmem>>) dst(%dma_wait3A_53 : memref<128x112xf32, #tpu.memory_space<hbm>>)
        tpu.yield
      }) : () -> ()
    }
    %scan3A_5 = arith.constant 8 : i32
    return
  }
}

module attributes {stable_mosaic.version = 14 : i64} {
  func.func @body(%arg0: i32, %arg1: memref<512x112xf32, #tpu.memory_space<vmem>>, %arg2: memref<112x2048xf32, #tpu.memory_space<vmem>>, %arg3: memref<512x2048xf32, #tpu.memory_space<vmem>>) attributes {dimension_semantics = [#tpu.dimension_semantics<arbitrary>], iteration_bounds = array<i64: 64>, scalar_prefetch = 0 : i64, scratch_operands = 0 : i64, tpu.core_type = #tpu.core_type<tc>, window_params = [{transform_indices = @transform_0, window_bounds = array<i64: 512, 112>}, {pipeline_mode = #tpu.pipeline_mode<synchronous>, transform_indices = @transform_1, window_bounds = array<i64: 112, 2048>}, {transform_indices = @transform_2, window_bounds = array<i64: 512, 2048>}]} {
    %get3A = arith.constant 0 : index
    %get3A_0 = arith.constant 0 : index
    %get3A_1 = vector.load %arg1[%get3A, %get3A_0] : memref<512x112xf32, #tpu.memory_space<vmem>>, vector<512x112xf32>
    %mul3A = arith.constant 2.500000e-01 : f32
    %mul3A_2 = vector.broadcast %mul3A : f32 to vector<512x112xf32>
    %mul3A_3 = arith.mulf %get3A_1, %mul3A_2 : vector<512x112xf32>
    %get3A_4 = arith.constant 0 : index
    %get3A_5 = arith.constant 0 : index
    %get3A_6 = vector.load %arg2[%get3A_4, %get3A_5] : memref<112x2048xf32, #tpu.memory_space<vmem>>, vector<112x2048xf32>
    %dot_general3A = arith.constant dense<0.000000e+00> : vector<512x2048xf32>
    %dot_general3A_7 = tpu.matmul %mul3A_3, %get3A_6, %dot_general3A {dimension_numbers = #tpu.dot_dimension_numbers<[1], [0], [0], [1], [0, 0, 1, 1], [], []>, transpose_lhs_hint = false} : vector<512x112xf32>, vector<112x2048xf32>, vector<512x2048xf32> -> vector<512x2048xf32>
    %swap3A = arith.constant 0 : index
    %swap3A_8 = arith.constant 0 : index
    %swap3A_9 = vector.load %arg3[%swap3A, %swap3A_8] : memref<512x2048xf32, #tpu.memory_space<vmem>>, vector<512x2048xf32>
    tpu.vector_store %arg3[%swap3A, %swap3A_8], %dot_general3A_7 {strides = array<i32>} : memref<512x2048xf32, #tpu.memory_space<vmem>>, vector<512x2048xf32>,
    return
  }
  func.func @transform_0(%arg0: i32) -> (i32, i32) {
    %c0_i32 = arith.constant 0 : i32
    %c0_i32_0 = arith.constant 0 : i32
    return %arg0, %c0_i32 : i32, i32
  }
  func.func @transform_1(%arg0: i32) -> (i32, i32) {
    %c0_i32 = arith.constant 0 : i32
    %c0_i32_0 = arith.constant 0 : i32
    %c0_i32_1 = arith.constant 0 : i32
    return %c0_i32, %c0_i32_0 : i32, i32
  }
  func.func @transform_2(%arg0: i32) -> (i32, i32) {
    %c0_i32 = arith.constant 0 : i32
    %c0_i32_0 = arith.constant 0 : i32
    return %arg0, %c0_i32 : i32, i32
  }
}

</mosaic_0001>

<sc_bundles>
// kernel: kernel.4.cloned.1.call-start
scs
__scs_entry_jumppad:
0x0: {  	(pc) =	sbr.rel $0x88, $3  }
0x1: {  	(tag) =	ssettag $0x0;
	lr =	simm.s32 $0x1  }
0x2: {  	[smem:$0x3F9E] =	sst lr;
	_ =	strace $0xD0000000  }
0x3: {  	_ = 	snop  }
0x4: {  	_ = 	snop  }
0x5: {  	_ = 	snop  }
0x6: {  	_ = 	snop  }
0x7: {  	_ = 	snop  }
__scs_overlays_trampoline_lowered:
0x8: {  	[smem:$0x3FAD] =	sst s0  }
0x9: {  	[smem:$0x3FAE] =	sst s1  }
0xa: {  	[smem:$0x3FAF] =	sst s2  }
0xb: {  	[smem:$0x3FB0] =	sst s3  }
0xc: {  	[smem:$0x3FB1] =	sst s4  }
0xd: {  	[smem:$0x3FB2] =	sst s5  }
0xe: {  	[smem:$0x3FB3] =	sst s6  }
0xf: {  	[smem:$0x3FB4] =	sst s7  }
0x10: {  	[smem:$0x3FB5] =	sst s8  }
0x11: {  	[smem:$0x3FB6] =	sst s9;
	s0 =	simm.s32 @!p0 $0x0  }
0x12: {  	s1 =	sld [smem:$0x3F9C];
	s0 =	simm.s32 @p0 $0x1  }
0x13: {  	[smem:$0x3FB7] =	sst s0;
	s0 =	simm.s32 @!p1 $0x0  }
0x14: {  	s2 =	sld [smem:$0x3F9B];
	s0 =	simm.s32 @p1 $0x1  }
0x15: {  	[smem:$0x3FB8] =	sst s0;
	s0 =	simm.s32 @!p2 $0x0  }
0x16: {  	s3 =	sld [smem:$0x3FDB];
	s0 =	simm.s32 @p2 $0x1  }
0x17: {  	s4 =	simm.s32 $0x1BF5;
	[smem:$0x3FBA] =	sst s0  }
0x18: {  	s0 =	sld [smem:$0x3F9D];
	_ =	swait.ge [sflag:s4], $0x0  }
0x19: {  	s7 =	sld [smem:$0x3F9E]  }
0x1a: {  	s8 =	sadd.s32 $0xFFFFE003, lr  }
0x1b: {  	s9 =	sadd.s32 $0xFFFFFEF7, lr;
	s5 =	simm.s32 $0xFFFFFFFF;
	p2 =	slt.u32 s8, $0xFFFFF086  }
0x1c: {  	p1 =	slt.u32 s9, $0xF7A;
	s5 =	simm.s32 @!p2 $0x0  }
0x1d: {  	s5 =	simm.s32 @p1 $0x1;
	p0 =	seq.s32 s7, s2  }
0x1e: {  	s7 =	smul.u32 @!p0 $0xF7A, s2;
	p2 =	seq.s32 @!p0 s5, $0x0  }
0x1f: {  	s9 =	smul.u32 $0xF7A, s1;
	s8 =	simm.s32 @!p0 $0x1BF5;
	p2 =	por !p2, p0  }
0x20: {  	[sflag:s8] =	ssyncset.s32 @!p0 $0xFFFFF086;
	s6 =	sadd.s32 @!p0 s3, s7;
	s7 =	simm.s32 @!p0 $0x108  }
0x21: {  	s3 =	sadd.s32 s3, s9;
	s6 =	sadd.s32 @!p0 $0x88, s6;
	s7 =	simm.s32 @p2 $0x1082  }
0x22: {  	[simem:s7], [sflag:s8] =	dma.local @!p0 [hbm:s6], $0xF7A  }
0x23: {  	s9 =	sor.u32 $0xD0000000, s2;
	s6 =	simm.s32 $0x108;
	_ =	swait.ge @!p0 [sflag:s8], $0x0  }
0x24: {  	s3 =	sadd.s32 $0x88, s3;
	s6 =	simm.s32 @!p1 $0x1082;
	[sflag:s4] =	ssyncset.s32 $0xFFFFF086  }
0x25: {  	[simem:s6], [sflag:s4] =	dma.local [hbm:s3], $0xF7A  }
0x26: {  	[smem:$0x3F9E] =	sst s1;
	(tag) =	ssettag s2;
	_ =	strace s9  }
0x27: {  	s1 =	sld [smem:$0x3FAE]  }
0x28: {  	s2 =	sld [smem:$0x3FAF]  }
0x29: {  	s4 =	sld [smem:$0x3FB1]  }
0x2a: {  	p0 =	seq.s32 s5, $0x0;
	s5 =	sld [smem:$0x3FB2]  }
0x2b: {  	s6 =	sld [smem:$0x3FB3]  }
0x2c: {  	s7 =	sld [smem:$0x3FB4]  }
0x2d: {  	s3 =	simm.s32 $0x108;
	s8 =	sld [smem:$0x3FB5]  }
0x2e: {  	s3 =	simm.s32 @!p0 $0x1082;
	s9 =	sld [smem:$0x3FB6]  }
0x2f: {  	lr =	sadd.s32 s0, s3;
	s0 =	sld [smem:$0x3FAD]  }
0x30: {  	s3 =	sld [smem:$0x3FB0]  }
0x31: {  	[smem:$0x3FB9] =	sst s10  }
0x32: {  	s10 =	sld [smem:$0x3FB7];
	_ =	sdelay $0x3  }
0x33: {  	p0 =	seq.s32 s10, $0x1;
	s10 =	sld [smem:$0x3FB9];
	_ =	sdelay $0x3  }
0x34: {  	[smem:$0x3FB9] =	sst s10  }
0x35: {  	s10 =	sld [smem:$0x3FB8];
	_ =	sdelay $0x3  }
0x36: {  	p1 =	seq.s32 s10, $0x1;
	s10 =	sld [smem:$0x3FB9];
	_ =	sdelay $0x3  }
0x37: {  	[smem:$0x3FB9] =	sst s10  }
0x38: {  	s10 =	sld [smem:$0x3FBA]  }
0x39: {  	_ = 	snop;
	(pc) =	sbr.ind lr, $3  }
0x3a: {  	_ = 	snop  }
0x3b: {  	_ = 	snop  }
0x3c: {  	p2 =	seq.s32 s10, $0x1;
	s10 =	sld [smem:$0x3FB9]  }
0x3d: {  	_ =	shalt  }
0x3e: {  	_ =	shalt  }
0x3f: {  	_ =	shalt  }
0x40: {  	_ =	shalt  }
0x41: {  	_ =	shalt  }
0x42: {  	_ =	shalt  }
0x43: {  	_ =	shalt  }
0x44: {  	_ =	shalt  }
0x45: {  	_ =	shalt  }
0x46: {  	_ =	shalt  }
0x47: {  	_ =	shalt  }
0x48: {  	_ =	shalt  }
0x49: {  	_ =	shalt  }
0x4a: {  	_ =	shalt  }
0x4b: {  	_ =	shalt  }
0x4c: {  	_ =	shalt  }
0x4d: {  	_ =	shalt  }
0x4e: {  	_ =	shalt  }
0x4f: {  	_ =	shalt  }
0x50: {  	_ =	shalt  }
0x51: {  	_ =	shalt  }
0x52: {  	_ =	shalt  }
0x53: {  	_ =	shalt  }
0x54: {  	_ =	shalt  }
0x55: {  	_ =	shalt  }
0x56: {  	_ =	shalt  }
0x57: {  	_ =	shalt  }
0x58: {  	_ =	shalt  }
0x59: {  	_ =	shalt  }
0x5a: {  	_ =	shalt  }
0x5b: {  	_ =	shalt  }
0x5c: {  	_ =	shalt  }
0x5d: {  	_ =	shalt  }
0x5e: {  	_ =	shalt  }
0x5f: {  	_ =	shalt  }
0x60: {  	_ =	shalt  }
0x61: {  	_ =	shalt  }
0x62: {  	_ =	shalt  }
0x63: {  	_ =	shalt  }
0x64: {  	_ =	shalt  }
0x65: {  	_ =	shalt  }
0x66: {  	_ =	shalt  }
0x67: {  	_ =	shalt  }
0x68: {  	_ =	shalt  }
0x69: {  	_ =	shalt  }
0x6a: {  	_ =	shalt  }
0x6b: {  	_ =	shalt  }
0x6c: {  	_ =	shalt  }
0x6d: {  	_ =	shalt  }
0x6e: {  	_ =	shalt  }
0x6f: {  	_ =	shalt  }
0x70: {  	_ =	shalt  }
0x71: {  	_ =	shalt  }
0x72: {  	_ =	shalt  }
0x73: {  	_ =	shalt  }
0x74: {  	_ =	shalt  }
0x75: {  	_ =	shalt  }
0x76: {  	_ =	shalt  }
0x77: {  	_ =	shalt  }
0x78: {  	_ =	shalt  }
0x79: {  	_ =	shalt  }
0x7a: {  	_ =	shalt  }
0x7b: {  	_ =	shalt  }
0x7c: {  	_ =	shalt  }
0x7d: {  	_ =	shalt  }
0x7e: {  	_ =	shalt  }
0x7f: {  	_ =	shalt  }
0x80: {  	_ =	shalt  }
0x81: {  	_ =	shalt  }
0x82: {  	_ =	shalt  }
0x83: {  	_ =	shalt  }
0x84: {  	_ =	shalt  }
0x85: {  	_ =	shalt  }
0x86: {  	_ =	shalt  }
0x87: {  	_ =	shalt  }
.Lfunc_end0:
.L_simem_size_0:
called_computation_lowered:
.L_overlay_start_0:
0x88: {  	s2 =	sld [smem:$0x3FD9]  }
0x89: {  	s3 =	sld [smem:$0x3FFE];
	_ =	sdelay $0x1  }
0x8a: {  	s1 =	srdreg.scid  }
0x8b: {  	s0 =	sand.u32 $0x1, s1  }
0x8c: {  	s17 =	sshll.u32 s0, $0xA;
	s2 =	sadd.s32 s3, s2  }
0x8d: {  	s2 =	sadd.s32 s2, s17  }
0x8e: {  	[smem:$0x3FC5] =	sst s2  }
0x8f: {  	_ = 	snop  }
0x90: {  	s2 =	sld [smem:$0x3FD0];
	(tm) =	ssettm $0x1  }
0x91: {  	s18 =	sld [smem:$0x3FFB];
	_ =	sdelay $0x3  }
0x92: {  	_ =	strace s18  }
0x93: {  	s3 =	sld [smem:$0x3FFC];
	_ =	sdelay $0x3  }
0x94: {  	_ =	strace s3  }
0x95: {  	s3 =	sld [smem:$0x3FFD];
	_ =	sdelay $0x3  }
0x96: {  	_ =	strace s3  }
0x97: {  	_ =	strace $0x8FFFFFFF  }
0x98: {  	s19 =	sld [smem:$0x3FDB];
	_ =	sdelay $0x1  }
0x99: {  	s4 =	simm.s32 $_scs_section_size  }
0x9a: {  	s5 =	simm.s32 $_size__tile_overlayer_lowered;
	s6 =	simm.s32 $_tile_overlayer_lowered  }
0x9b: {  	s22 =	simm.s32 $0x1BFF;
	s21 =	sshll.u32 s6, $0x1;
	s3 =	sadd.s32 s4, s19  }
0x9c: {  	s7 =	simm.s32 $0x0;
	s20 =	sshll.u32 s5, $0x1;
	s5 =	sadd.s32 s21, s3  }
0x9d: {  	[timem:s7], [sflag:s22] =	dma.local [hbm:s5], s20  }
0x9e: {  	_ =	swait.ge [sflag:s22], s20  }
0x9f: {  	s4 =	ssub.s32 $0x0, s20;
	[sflag:s22] =	ssyncset.done $0x0  }
0xa0: {  	[sflag:s22] =	ssyncadd.s32 s4;
	_ =	sdelay $0x1  }
0xa1: {  	s23 =	simm.s32 $0x1B8B  }
0xa2: {  	_ =	swait.ge [sflag:s23], $0x1  }
0xa3: {  	[sflag:s23] =	ssyncset.done $0x0  }
0xa4: {  	s25 =	simm.s32 $0x1B8E;
	s24 =	sld [smem:$0x3FFE];
	[sflag:s23] =	ssyncadd.s32 $0xFFFFFFFF  }
0xa5: {  	s26 =	simm.s32 $execute0_lowered;
	[smem:$0x3FD2] =	sst s25  }
0xa6: {  	s5 =	sshll.u32 s26, $0x1;
	_ =	strace $0x80000046;
	[dreg:$0x1] =	wrdreg $0xFFFFFFFF  }
0xa7: {  	s28 =	simm.s32 $_size_execute0_lowered;
	s3 =	sadd.s32 s3, s5;
	[dreg:$0x0] =	wrdreg $0x0  }
0xa8: {  	s5 =	sshll.u32 s28, $0x1;
	[dreg:$0x2] =	wrdreg s3  }
0xa9: {  	[dreg:$0x3] =	wrdreg s5  }
0xaa: {  	[dreg:$0x4] =	wrdreg $0xC0  }
0xab: {  	_ =	task [dreg:s7], $0x5FFFF  }
0xac: {  	[dreg:$0x1] =	wrdreg $0xFFFFFFFF  }
0xad: {  	[dreg:$0x0] =	wrdreg $0x60  }
0xae: {  	[dreg:$0x2] =	wrdreg s24  }
0xaf: {  	[dreg:$0x3] =	wrdreg s2  }
0xb0: {  	[dreg:$0x4] =	wrdreg $0x9  }
0xb1: {  	_ =	task.clear_ibuf [dreg:s7], $0x5FFFF;
	_ =	strace $0x90000046  }
0xb2: {  	s29 =	simm.s32 $0x9;
	_ =	strace $0x80000048  }
0xb3: {  	_ =	swait.ge [sflag:s29], $0x1  }
0xb4: {  	[sflag:s29] =	ssyncadd.s32 $0xFFFFFFFF  }
0xb5: {  	_ =	strace $0x90000048  }
0xb6: {  	_ =	sfence  }
0xb7: {  	s30 =	sld [smem:$0x0];
	_ =	sdelay $0x2  }
0xb8: {  	s31 =	sshll.u32 s1, $0xD;
	s1 =	sshrl.u32 s1, $0x2  }
0xb9: {  	s3 =	sand.u32 $0x4000, s31;
	s1 =	sadd.s32 s1, s30  }
0xba: {  	s0 =	sor.u32 s3, s0;
	s1 =	sshll.u32 s1, $0x11  }
0xbb: {  	s0 =	sor.u32 s1, s0  }
0xbc: {  	s0 =	sadd.s32 $0x8F2B, s0  }
0xbd: {  	[sflag:s0] =	ssyncadd.remote.s32 $0x1  }
0xbe: {  	_ =	sfence.sel $0xFFFF  }
0xbf: {  	[dreg:$0x0] =	wrdreg $0xFFFFFFFF;
	(pc) =	sbr.abs _section_cstart, $3  }
0xc0: {  	[dreg:$0x1] =	wrdreg $0xFFFFFFFF  }
0xc1: {  	_ =	task.clear_ibuf [dreg:s7], $0x2FFFF;
	_ =	strace $0x9FFFFFFF  }
0xc2: {  	(tm) =	ssettm $0x7FFFFFFF  }
0xc3: {  	_ =	shalt  }
tec
execute0_lowered:
.L_overlay_start_1:
0x0: {  	(tag) =	ssettag $0x1  }
0x1: {  	s0 =	rddreg [dreg:$0x0];
	s1 =	simm.s32 $0x0;
	s25 =	srdreg.scid  }
0x2: {  	v0 =	vimm.s32 $0xECA86420;
	s3 =	stileid.u32;
	[smem:$0x7FF] =	sst s1;
	s2 =	sadd.s32 $0x600, s0  }
0x3: {  	vm0 =	vcmask $0xB08;
	vm1 =	vcmask $0x1310;
	vm2 =	vcmask $0x1B18;
	s1 =	sand.u32 $0x1, s25;
	s26 =	sadd.s32 $0x1600, s0;
	s28 =	sadd.s32 $0x2600, s0  }
0x4: {  	vm3 =	vcmask $0x300;
	vm4 =	vcmask $0x2320;
	s0 =	sadd.s32 $0x3600, s0;
	_ =	strace $0x80000047;
	[smem:$0x7F8] =	sst s2  }
0x5: {  	vm5 =	vcmask $0x2B28;
	vm6 =	vcmask $0x3330;
	vm7 =	vcmask $0x3B38;
	s31 =	sshll.u32 s3, $0xB;
	[smem:$0x7F9] =	sst s26;
	s29 =	ssub.s32 $0x2, s1  }
0x6: {  	v1 =	vlaneseq.u32;
	vm8 =	vmmov $0xff;
	vm9 =	vcmask $0x704;
	[smem:$0x7FA] =	sst s28;
	s1 =	sshll.u32 s1, $0xA;
	s30 =	sshrl.u32 s29, $0x1  }
0x7: {  	vm10 =	vcmask $0xF0C;
	vm11 =	vcmask $0x1714;
	v0 =	vunpack.c.l.s4.s8 v0;
	[smem:$0x7FB] =	sst s0;
	s1 =	sor.u32 s1, s31;
	s0 =	ssub.s32 s29, s30  }
0x8: {  	s4 =	simm.s32 $0x80;
	vm12 =	vcmask $0x1F1C;
	vm13 =	vcmask $0x2724;
	vm14 =	vcmask $0x2F2C;
	[smem:$0x7FC] =	sst s1;
	s0 =	smax.u32 s0, $0x1  }
0x9: {  	vm15 =	vcmask $0x3734;
	s3 =	simm.s32 $0x2;
	v1 =	vmul.u32 $0x2, v1;
	v0 =	vunpack.c.0.s8.s32 v0;
	s1 =	simm.s32 $0x0;
	[smem:$0x7FD] =	sst s0  }
.LBB2_1:
0xa: {  	[smem:$0x7F7] =	sst s1;
	s0 =	simm.s32 $0x0  }
.LBB2_2:
0xb: {  	s1 =	sld [smem:$0x7FC];
	_ =	sdelay $0x1  }
0xc: {  	s5 =	sshll.u32 s0, $0x7;
	s6 =	sld [smem:$0x7F8]  }
0xd: {  	[smem:$0x795] =	sst s0;
	s0 =	sadd.s32 s1, s5  }
0xe: {  	[smem:$0x796] =	sst s0;
	s0 =	sshrl.u32 s0, $0x3  }
0xf: {  	s2 =	simm.s32 $0x0;
	s1 =	sadd.s32 s6, s0  }
0x10: {  	[tilespmem:s2], [sflag:$0x2] =	stream.linear.gather [hbm4b:s1+s2], $0x80, $0x38;
	[tilespmem:$0xE380] =	vst v63  }
0x11: {  	_ =	swait.ge [sflag:s3], $0x80  }
0x12: {  	s7 =	sld [smem:$0x7F9];
	_ =	sdelay $0x1  }
0x13: {  	[sflag:s3] =	ssyncset.done $0x0  }
0x14: {  	[sflag:s3] =	ssyncadd.s32 $0xFFFFFF80;
	s1 =	sadd.s32 s7, s0  }
0x15: {  	[tilespmem:s4], [sflag:$0x2] =	stream.linear.gather [hbm4b:s1+s2], $0x80, $0x38;
	[tilespmem:$0xE380] =	vst v63  }
0x16: {  	_ =	swait.ge [sflag:s3], $0x80  }
0x17: {  	s8 =	sld [smem:$0x7FA];
	_ =	sdelay $0x1  }
0x18: {  	[sflag:s3] =	ssyncset.done $0x0  }
0x19: {  	s9 =	simm.s32 $0x100;
	[sflag:s3] =	ssyncadd.s32 $0xFFFFFF80;
	s0 =	sadd.s32 s8, s0  }
0x1a: {  	[tilespmem:s9], [sflag:$0x2] =	stream.linear.gather [hbm4b:s0+s2], $0x80, $0x38;
	[tilespmem:$0xE380] =	vst v63  }
0x1b: {  	_ =	swait.ge [sflag:s3], $0x80  }
0x1c: {  	[sflag:s3] =	ssyncset.done $0x0  }
0x1d: {  	s10 =	simm.s32 $0x0;
	[sflag:s3] =	ssyncadd.s32 $0xFFFFFF80  }
0x1e: {  	v4 =	vld [tilespmem:s10+$0x0]  }
0x1f: {  	v6 =	vld [tilespmem:s10+$0x80];
	_ =	sdelay $0x2  }
0x20: {  	v7 =	vld [tilespmem:s10+$0x100]  }
0x21: {  	v2 =	vmul.u32 $0x3E, v4  }
0x22: {  	v5 =	vmul.u32 $0xC2, v4;
	v8 =	vmul.u32 $0x6A, v6;
	v9 =	vmul.u32 $0x9F, v4  }
0x23: {  	v3 =	vxor.u32 v2, v6  }
0x24: {  	v2 =	vxor.u32 v5, v6;
	v5 =	vxor.u32 v9, v8;
	(v2sf) =	vpush v3, $0x7  }
0x25: {  	v5 =	vxor.u32 v7, v5;
	(v2sf) =	vpush v2, $0x7  }
0x26: {  	(v2sf) =	vpush v5, $0xF  }
0x27: {  	(v2sf) =	vpush v5, $0xB;
	_ =	sdelay $0x1  }
0x28: {  	(v2sf) =	vpush v5, $0x6;
	_ =	sdelay $0x1  }
0x29: {  	(v2sf) =	vpush v5, $0xE;
	_ =	sdelay $0x1  }
0x2a: {  	(v2sf) =	vpush v5, $0xA  }
0x2b: {  	(v2sf) =	vpush v5, $0xD;
	_ =	sdelay $0x2  }
0x2c: {  	(v2sf) =	vpush v5, $0x9;
	_ =	sdelay $0x1  }
0x2d: {  	(v2sf) =	vpush v5, $0x5;
	s11 =	spop (v2sf)  }
0x2e: {  	s8 =	smulhi.u32 $0x14F8B589, s11;
	s0 =	sshra.s32 s11, $0x1F;
	s17 =	spop (v2sf)  }
0x2f: {  	(v2sf) =	vpush v5, $0xC;
	s21 =	smul.u32 $0x14F8B589, s0;
	s12 =	spop (v2sf)  }
0x30: {  	(v2sf) =	vpush v5, $0x8;
	s16 =	smulhi.u32 $0x14F8B589, s12;
	s18 =	spop (v2sf)  }
0x31: {  	s0 =	sshra.s32 s12, $0x1F;
	s19 =	smulhi.u32 $0x14F8B589, s18  }
0x32: {  	s20 =	spop (v2sf);
	s7 =	smul.u32 $0x14F8B589, s0  }
0x33: {  	s1 =	sshra.s32 s18, $0x1F;
	s13 =	smulhi.u32 $0x14F8B589, s20  }
0x34: {  	s22 =	spop (v2sf);
	(v2sf) =	vpush v5, $0x4;
	s25 =	smul.u32 $0x14F8B589, s1  }
0x35: {  	s2 =	sshra.s32 s20, $0x1F;
	s23 =	smulhi.u32 $0x14F8B589, s22  }
0x36: {  	s24 =	spop (v2sf);
	(v2sf) =	vpush v5, $0x3;
	s31 =	smul.u32 $0x14F8B589, s2  }
0x37: {  	s3 =	sshra.s32 s22, $0x1F;
	s26 =	smulhi.u32 $0x14F8B589, s24;
	s5 =	spop (v2sf);
	(v2sf) =	vpush v5, $0x2  }
0x38: {  	s10 =	smul.u32 $0x14F8B589, s3  }
0x39: {  	s4 =	sshra.s32 s24, $0x1F;
	s28 =	smulhi.u32 $0x14F8B589, s5;
	(v2sf) =	vpush v5, $0x1  }
0x3a: {  	v4 =	vmul.u32 $0x33, v4;
	v6 =	vmul.u32 $0x22, v6;
	s6 =	spop (v2sf);
	s18 =	smul.u32 $0x14F8B589, s4  }
0x3b: {  	[smem:$0x797] =	sst s16;
	s12 =	sshra.s32 s5, $0x1F;
	s16 =	smulhi.u32 $0x14F8B589, s6;
	(v2sf) =	vpush v5, $0x0  }
0x3c: {  	v4 =	vxor.u32 v4, v6;
	s9 =	spop (v2sf);
	s3 =	smul.u32 $0x14F8B589, s12;
	(v2sf) =	vpush v5, $0x7  }
0x3d: {  	v4 =	vxor.u32 v7, v4;
	[smem:$0x798] =	sst s19;
	s19 =	sshra.s32 s6, $0x1F;
	s29 =	smulhi.u32 $0x14F8B589, s9  }
0x3e: {  	s11 =	spop (v2sf);
	s0 =	smul.u32 $0x14F8B589, s19;
	(v2sf) =	vpush v4, $0x7  }
0x3f: {  	s20 =	sshra.s32 s9, $0x1F;
	s15 =	smulhi.u32 $0x14F8B589, s11;
	s14 =	spop (v2sf)  }
0x40: {  	[smem:$0x79A] =	sst s0;
	s0 =	smul.u32 $0x14F8B589, s20;
	(v2sf) =	vpush v4, $0x0  }
0x41: {  	[smem:$0x799] =	sst s23;
	s30 =	smulhi.u32 $0x14F8B589, s14;
	s23 =	sshra.s32 s14, $0x1F  }
0x42: {  	s22 =	sshra.s32 s11, $0x1F;
	[smem:$0x79B] =	sst s0;
	s0 =	smul.u32 $0x14F8B589, s23  }
0x43: {  	s1 =	smul.u32 $0x14F8B589, s22;
	(v2sf) =	vpush v3, $0x0;
	s24 =	spop (v2sf)  }
0x44: {  	[smem:$0x79C] =	sst s0;
	s4 =	smulhi.u32 $0x14F8B589, s24;
	s5 =	sshra.s32 s24, $0x1F  }
0x45: {  	(v2sf) =	vpush v2, $0x0;
	s6 =	spop (v2sf);
	s11 =	smul.u32 $0x14F8B589, s5  }
0x46: {  	s9 =	smulhi.u32 $0x14F8B589, s6;
	s12 =	spop (v2sf)  }
0x47: {  	s0 =	sshra.s32 s6, $0x1F;
	[smem:$0x79D] =	sst s4;
	s14 =	smulhi.u32 $0x14F8B589, s12  }
0x48: {  	s2 =	sshra.s32 s12, $0x1F;
	s0 =	smul.u32 $0x14F8B589, s0;
	s20 =	spop (v2sf)  }
0x49: {  	[smem:$0x7A1] =	sst s9;
	s19 =	smul.u32 $0x14F8B589, s2  }
0x4a: {  	(v2sf) =	vpush v4, $0x1;
	s22 =	smulhi.u32 $0x14F8B589, s20;
	s23 =	spop (v2sf)  }
0x4b: {  	[smem:$0x7A2] =	sst s0;
	s0 =	sshra.s32 s20, $0x1F;
	s24 =	spop (v2sf)  }
0x4c: {  	(v2sf) =	vpush v3, $0x1;
	[smem:$0x79F] =	sst s19;
	s19 =	smul.u32 $0x14F8B589, s0;
	s0 =	sshra.s32 s24, $0x1F  }
0x4d: {  	s6 =	spop (v2sf);
	s12 =	smul.u32 $0x14F8B589, s0;
	s0 =	sshra.s32 s17, $0x1F  }
0x4e: {  	(v2sf) =	vpush v2, $0x1;
	[smem:$0x7A0] =	sst s22;
	s22 =	sshra.s32 s6, $0x1F;
	s20 =	smul.u32 $0x14F8B589, s0  }
0x4f: {  	s5 =	smul.u32 $0x14F8B589, s22;
	s22 =	spop (v2sf)  }
0x50: {  	s4 =	smulhi.u32 $0x14F8B589, s23;
	s2 =	sshra.s32 s23, $0x1F;
	s23 =	sshra.s32 s22, $0x1F  }
0x51: {  	(v2sf) =	vpush v4, $0x2;
	[smem:$0x7A3] =	sst s20;
	s23 =	smul.u32 $0x14F8B589, s23  }
0x52: {  	(v2sf) =	vpush v3, $0x2;
	s20 =	smulhi.u32 $0x14F8B589, s17;
	s17 =	spop (v2sf)  }
0x53: {  	s9 =	smulhi.u32 $0x14F8B589, s24;
	s24 =	sshra.s32 s17, $0x1F;
	[smem:$0x7A4] =	sst s23  }
0x54: {  	s23 =	spop (v2sf);
	s24 =	smul.u32 $0x14F8B589, s24  }
0x55: {  	[smem:$0x79E] =	sst s14;
	(v2sf) =	vpush v2, $0x2;
	s14 =	sshra.s32 s23, $0x1F  }
0x56: {  	[smem:$0x7A6] =	sst s24;
	s24 =	smul.u32 $0x14F8B589, s14  }
0x57: {  	(v2sf) =	vpush v4, $0x3;
	s14 =	smulhi.u32 $0x14F8B589, s22  }
0x58: {  	s22 =	smulhi.u32 $0x14F8B589, s17  }
0x59: {  	s17 =	spop (v2sf);
	[smem:$0x7A8] =	sst s24  }
0x5a: {  	[smem:$0x7A5] =	sst s14;
	s24 =	smulhi.u32 $0x14F8B589, s23  }
0x5b: {  	(v2sf) =	vpush v3, $0x3;
	[smem:$0x7A7] =	sst s22;
	s22 =	spop (v2sf)  }
0x5c: {  	s14 =	sshra.s32 s17, $0x1F;
	s17 =	smulhi.u32 $0x14F8B589, s17;
	[smem:$0x7A9] =	sst s24  }
0x5d: {  	(v2sf) =	vpush v2, $0x3;
	s24 =	smul.u32 $0x14F8B589, s14;
	s23 =	spop (v2sf)  }
0x5e: {  	s14 =	sshra.s32 s22, $0x1F;
	[smem:$0x7AB] =	sst s17;
	s22 =	smulhi.u32 $0x14F8B589, s22  }
0x5f: {  	s0 =	sshra.s32 s23, $0x1F;
	[smem:$0x7AA] =	sst s24;
	s24 =	smul.u32 $0x14F8B589, s14  }
0x60: {  	s17 =	spop (v2sf);
	s14 =	smul.u32 $0x14F8B589, s0  }
0x61: {  	[smem:$0x7AD] =	sst s22;
	s22 =	spop (v2sf)  }
0x62: {  	[smem:$0x7AC] =	sst s24;
	s24 =	smulhi.u32 $0x14F8B589, s23  }
0x63: {  	(v2sf) =	vpush v4, $0x4;
	[smem:$0x7AE] =	sst s14;
	s14 =	sshra.s32 s17, $0x1F;
	s17 =	smulhi.u32 $0x14F8B589, s17  }
0x64: {  	s23 =	spop (v2sf);
	[smem:$0x7AF] =	sst s24  }
0x65: {  	s24 =	smul.u32 $0x14F8B589, s14;
	[smem:$0x7B3] =	sst s17  }
0x66: {  	(v2sf) =	vpush v3, $0x4;
	s14 =	sshra.s32 s22, $0x1F;
	s22 =	smulhi.u32 $0x14F8B589, s22;
	s17 =	spop (v2sf)  }
0x67: {  	s0 =	sshra.s32 s23, $0x1F;
	[smem:$0x7B2] =	sst s24;
	s24 =	smul.u32 $0x14F8B589, s14  }
0x68: {  	s14 =	smul.u32 $0x14F8B589, s0;
	[smem:$0x7B1] =	sst s22  }
0x69: {  	[smem:$0x7B0] =	sst s24;
	s24 =	smulhi.u32 $0x14F8B589, s23  }
0x6a: {  	s22 =	spop (v2sf);
	[smem:$0x7B4] =	sst s14;
	s14 =	sshra.s32 s17, $0x1F  }
0x6b: {  	(v2sf) =	vpush v2, $0x4;
	[smem:$0x7B5] =	sst s24;
	s24 =	smul.u32 $0x14F8B589, s14  }
0x6c: {  	s15 =	sadd.s32 s1, s15;
	s23 =	spop (v2sf);
	s14 =	sshra.s32 s22, $0x1F  }
0x6d: {  	s0 =	sshra.s32 s23, $0x1F;
	[smem:$0x7B6] =	sst s24;
	s24 =	smul.u32 $0x14F8B589, s14  }
0x6e: {  	[smem:$0x7CE] =	sst s15;
	s14 =	smul.u32 $0x14F8B589, s0  }
0x6f: {  	(v2sf) =	vpush v4, $0xC;
	[smem:$0x7B8] =	sst s24  }
0x70: {  	[smem:$0x7BA] =	sst s14;
	s24 =	smulhi.u32 $0x14F8B589, s17;
	s14 =	sadd.s32 s21, s8  }
0x71: {  	s17 =	smulhi.u32 $0x14F8B589, s22;
	[smem:$0x7D1] =	sst s14  }
0x72: {  	s8 =	spop (v2sf);
	s14 =	sld [smem:$0x797]  }
0x73: {  	s21 =	smulhi.u32 $0x14F8B589, s23;
	s22 =	sshra.s32 s8, $0x1F;
	[smem:$0x7B7] =	sst s24  }
0x74: {  	[smem:$0x7B9] =	sst s17;
	s23 =	smul.u32 $0x14F8B589, s22  }
0x75: {  	(v2sf) =	vpush v4, $0x8;
	[smem:$0x7BB] =	sst s21;
	s17 =	spop (v2sf)  }
0x76: {  	(v2sf) =	vpush v3, $0xC;
	s24 =	sshra.s32 s17, $0x1F;
	[smem:$0x7BE] =	sst s23  }
0x77: {  	s22 =	smul.u32 $0x14F8B589, s24;
	s24 =	sld [smem:$0x798]  }
0x78: {  	(v2sf) =	vpush v3, $0x8;
	s0 =	sadd.s32 s7, s14;
	s7 =	sld [smem:$0x799]  }
0x79: {  	s14 =	smulhi.u32 $0x14F8B589, s8;
	[smem:$0x7D6] =	sst s0  }
0x7a: {  	s21 =	spop (v2sf);
	[smem:$0x7BC] =	sst s22  }
0x7b: {  	s23 =	sshra.s32 s21, $0x1F;
	[smem:$0x7BF] =	sst s14  }
0x7c: {  	s22 =	smulhi.u32 $0x14F8B589, s21;
	s21 =	sld [smem:$0x79A];
	s0 =	sadd.s32 s25, s24  }
0x7d: {  	s25 =	sadd.s32 s3, s28;
	[smem:$0x7D7] =	sst s0  }
0x7e: {  	s1 =	spop (v2sf);
	[smem:$0x7D0] =	sst s25  }
0x7f: {  	s3 =	smul.u32 $0x14F8B589, s23;
	s23 =	sshra.s32 s1, $0x1F;
	[smem:$0x7C1] =	sst s22  }
0x80: {  	s24 =	smul.u32 $0x14F8B589, s23;
	s23 =	sld [smem:$0x79B]  }
0x81: {  	(v2sf) =	vpush v2, $0xC;
	s0 =	sadd.s32 s10, s7;
	[smem:$0x7C0] =	sst s3  }
0x82: {  	(v2sf) =	vpush v2, $0x8;
	s10 =	sadd.s32 s18, s26;
	s18 =	smulhi.u32 $0x14F8B589, s17;
	[smem:$0x7D4] =	sst s0  }
0x83: {  	[smem:$0x7D5] =	sst s10  }
0x84: {  	s3 =	spop (v2sf);
	[smem:$0x7BD] =	sst s18  }
0x85: {  	[smem:$0x7C2] =	sst s24;
	s7 =	spop (v2sf);
	s25 =	sshra.s32 s3, $0x1F  }
0x86: {  	s24 =	sld [smem:$0x79C];
	s26 =	smul.u32 $0x14F8B589, s25  }
0x87: {  	s10 =	spop (v2sf);
	s0 =	sshra.s32 s7, $0x1F;
	s25 =	sld [smem:$0x79D]  }
0x88: {  	s8 =	smul.u32 $0x14F8B589, s0;
	[smem:$0x7C4] =	sst s26  }
0x89: {  	s14 =	sshra.s32 s10, $0x1F;
	s26 =	sadd.s32 s12, s9;
	s12 =	sld [smem:$0x7A3]  }
0x8a: {  	s15 =	smul.u32 $0x14F8B589, s14;
	s14 =	sadd.s32 s21, s16;
	[smem:$0x7C3] =	sst s8  }
0x8b: {  	[smem:$0x7D3] =	sst s14  }
0x8c: {  	[smem:$0x7D2] =	sst s26  }
0x8d: {  	s14 =	sadd.s32 s23, s29;
	s29 =	sld [smem:$0x79E]  }
0x8e: {  	(v2sf) =	vpush v4, $0xD;
	s9 =	sadd.s32 s31, s13;
	s23 =	smulhi.u32 $0x14F8B589, s3;
	s3 =	sld [smem:$0x7A0]  }
0x8f: {  	s2 =	smul.u32 $0x14F8B589, s2;
	(v2sf) =	vpush v4, $0x9;
	[smem:$0x7DA] =	sst s9  }
0x90: {  	(v2sf) =	vpush v4, $0x5;
	s18 =	spop (v2sf);
	[smem:$0x7C5] =	sst s15  }
0x91: {  	(v2sf) =	vpush v3, $0xD;
	s0 =	spop (v2sf);
	[smem:$0x7D9] =	sst s14  }
0x92: {  	s13 =	smulhi.u32 $0x14F8B589, s18;
	s14 =	sadd.s32 s24, s30;
	s30 =	sld [smem:$0x79F]  }
0x93: {  	(v2sf) =	vpush v3, $0x9;
	s17 =	sshra.s32 s18, $0x1F;
	s15 =	sadd.s32 s2, s4;
	s4 =	sld [smem:$0x7A1]  }
0x94: {  	s8 =	smul.u32 $0x14F8B589, s17;
	[smem:$0x7C7] =	sst s13  }
0x95: {  	(v2sf) =	vpush v3, $0x5;
	s22 =	sshra.s32 s0, $0x1F;
	s13 =	sld [smem:$0x7A5]  }
0x96: {  	[smem:$0x7C6] =	sst s8;
	s8 =	smul.u32 $0x14F8B589, s22  }
0x97: {  	s6 =	smulhi.u32 $0x14F8B589, s6;
	(v2sf) =	vpush v2, $0xD;
	[smem:$0x7CF] =	sst s14  }
0x98: {  	s28 =	smulhi.u32 $0x14F8B589, s10;
	[smem:$0x7C8] =	sst s8;
	s8 =	sadd.s32 s11, s25  }
0x99: {  	(v2sf) =	vpush v2, $0x9;
	s0 =	smulhi.u32 $0x14F8B589, s0;
	[smem:$0x7D8] =	sst s8  }
0x9a: {  	(v2sf) =	vpush v2, $0x5;
	s16 =	sadd.s32 s19, s3;
	s19 =	smulhi.u32 $0x14F8B589, s7;
	s8 =	sld [smem:$0x7A2]  }
0x9b: {  	[smem:$0x7C9] =	sst s0;
	s25 =	smulhi.u32 $0x14F8B589, s1  }
0x9c: {  	s11 =	sadd.s32 s5, s6;
	s1 =	sadd.s32 s12, s20;
	s12 =	sld [smem:$0x7A4]  }
0x9d: {  	[dreg:$0x5] =	wrdreg s11;
	s26 =	sadd.s32 s8, s4;
	s8 =	spop (v2sf)  }
0x9e: {  	[dreg:$0x4] =	wrdreg s1;
	s11 =	spop (v2sf);
	s14 =	sshra.s32 s8, $0x1F  }
0x9f: {  	s17 =	smul.u32 $0x14F8B589, s14;
	s9 =	spop (v2sf);
	s18 =	sshra.s32 s11, $0x1F  }
0xa0: {  	s20 =	smul.u32 $0x14F8B589, s18;
	s7 =	spop (v2sf);
	s22 =	sshra.s32 s9, $0x1F  }
0xa1: {  	s21 =	sadd.s32 s30, s29;
	[smem:$0x7CA] =	sst s17;
	s24 =	smul.u32 $0x14F8B589, s22  }
0xa2: {  	s6 =	spop (v2sf);
	s29 =	sshra.s32 s7, $0x1F;
	s17 =	sld [smem:$0x7A6]  }
0xa3: {  	[smem:$0x7CB] =	sst s20;
	s30 =	smul.u32 $0x14F8B589, s29  }
0xa4: {  	s4 =	spop (v2sf);
	s1 =	sshra.s32 s6, $0x1F;
	[smem:$0x7CD] =	sst s24  }
0xa5: {  	s29 =	smul.u32 $0x14F8B589, s1;
	s24 =	sadd.s32 s12, s13;
	s12 =	sld [smem:$0x7A8]  }
0xa6: {  	s3 =	spop (v2sf);
	s2 =	sshra.s32 s4, $0x1F;
	s13 =	sld [smem:$0x7A9]  }
0xa7: {  	[smem:$0x7CC] =	sst s30;
	s22 =	smul.u32 $0x14F8B589, s2  }
0xa8: {  	s2 =	spop (v2sf);
	s5 =	sshra.s32 s3, $0x1F;
	s30 =	sld [smem:$0x7A7]  }
0xa9: {  	s20 =	smul.u32 $0x14F8B589, s5;
	s1 =	spop (v2sf);
	s10 =	sshra.s32 s2, $0x1F  }
0xaa: {  	s18 =	smul.u32 $0x14F8B589, s10;
	s14 =	sshra.s32 s1, $0x1F;
	s10 =	sld [smem:$0x7AC]  }
0xab: {  	s5 =	sadd.s32 s17, s30;
	s17 =	smul.u32 $0x14F8B589, s14;
	s14 =	sld [smem:$0x7AA]  }
0xac: {  	s30 =	sld [smem:$0x7AB]  }
0xad: {  	[smem:$0x7DB] =	sst s5  }
0xae: {  	s5 =	sadd.s32 s12, s13;
	s12 =	sld [smem:$0x7AD]  }
0xaf: {  	s13 =	sld [smem:$0x7AE]  }
0xb0: {  	[smem:$0x7DC] =	sst s5  }
0xb1: {  	s0 =	sadd.s32 s14, s30;
	s30 =	sld [smem:$0x7AF]  }
0xb2: {  	s14 =	smulhi.u32 $0x14F8B589, s8;
	s8 =	sld [smem:$0x7B0]  }
0xb3: {  	[smem:$0x7DD] =	sst s0  }
0xb4: {  	s0 =	sadd.s32 s10, s12;
	s10 =	sld [smem:$0x7B1]  }
0xb5: {  	s12 =	sld [smem:$0x7B2]  }
0xb6: {  	[smem:$0x7DE] =	sst s0  }
0xb7: {  	s0 =	sadd.s32 s13, s30;
	s30 =	sld [smem:$0x7B3]  }
0xb8: {  	s13 =	smulhi.u32 $0x14F8B589, s11;
	s11 =	sld [smem:$0x7B6]  }
0xb9: {  	[smem:$0x7DF] =	sst s0  }
0xba: {  	s0 =	sadd.s32 s8, s10;
	s8 =	sld [smem:$0x7B4]  }
0xbb: {  	s10 =	sld [smem:$0x7B5]  }
0xbc: {  	[smem:$0x7E1] =	sst s0  }
0xbd: {  	s0 =	sadd.s32 s12, s30;
	s30 =	sld [smem:$0x7B7]  }
0xbe: {  	s12 =	smulhi.u32 $0x14F8B589, s9;
	s9 =	sld [smem:$0x7B9]  }
0xbf: {  	[smem:$0x7E0] =	sst s0  }
0xc0: {  	s0 =	sadd.s32 s8, s10;
	s8 =	sld [smem:$0x7B8]  }
0xc1: {  	s10 =	sld [smem:$0x7BA]  }
0xc2: {  	[smem:$0x7E2] =	sst s0  }
0xc3: {  	s0 =	sadd.s32 s11, s30;
	s30 =	sld [smem:$0x7BB]  }
0xc4: {  	s11 =	smulhi.u32 $0x14F8B589, s7;
	s7 =	sld [smem:$0x7BC]  }
0xc5: {  	[smem:$0x7E3] =	sst s0  }
0xc6: {  	s0 =	sadd.s32 s8, s9;
	s8 =	sld [smem:$0x7BD]  }
0xc7: {  	s9 =	sld [smem:$0x7BE]  }
0xc8: {  	[smem:$0x7E4] =	sst s0  }
0xc9: {  	(v2sf) =	vpush v4, $0xE;
	s0 =	sadd.s32 s10, s30;
	s30 =	sld [smem:$0x7BF]  }
0xca: {  	(v2sf) =	vpush v4, $0xA;
	s10 =	smulhi.u32 $0x14F8B589, s6;
	s6 =	sld [smem:$0x7C0]  }
0xcb: {  	[smem:$0x7E5] =	sst s0  }
0xcc: {  	s0 =	sadd.s32 s7, s8;
	s7 =	sld [smem:$0x7C1]  }
0xcd: {  	s8 =	sld [smem:$0x7C2]  }
0xce: {  	[smem:$0x7E7] =	sst s0  }
0xcf: {  	s10 =	sadd.s32 s29, s10;
	s0 =	sadd.s32 s9, s30;
	s30 =	sld [smem:$0x7C4]  }
0xd0: {  	[smem:$0x7F2] =	sst s10  }
0xd1: {  	[smem:$0x7E6] =	sst s0;
	s0 =	sadd.s32 s6, s7  }
0xd2: {  	s9 =	smulhi.u32 $0x14F8B589, s4;
	[smem:$0x7E8] =	sst s0  }
0xd3: {  	(v2sf) =	vpush v3, $0xE;
	s0 =	sadd.s32 s8, s25;
	s25 =	sld [smem:$0x7C3]  }
0xd4: {  	(v2sf) =	vpush v3, $0xA;
	s6 =	smulhi.u32 $0x14F8B589, s2;
	s22 =	sadd.s32 s22, s9;
	s9 =	sld [smem:$0x7D0]  }
0xd5: {  	s7 =	smulhi.u32 $0x14F8B589, s1;
	[smem:$0x7E9] =	sst s0  }
0xd6: {  	s6 =	sadd.s32 s18, s6;
	s18 =	sld [smem:$0x7CF];
	s0 =	sadd.s32 s25, s19  }
0xd7: {  	(v2sf) =	vpush v2, $0xE;
	s8 =	smulhi.u32 $0x14F8B589, s3;
	[smem:$0x7EB] =	sst s0  }
0xd8: {  	s0 =	sadd.s32 s30, s23;
	s23 =	spop (v2sf);
	s30 =	sld [smem:$0x7C5]  }
0xd9: {  	s8 =	sadd.s32 s20, s8;
	[smem:$0x7F4] =	sst s6;
	s4 =	spop (v2sf)  }
0xda: {  	s20 =	sadd.s32 s17, s7;
	s17 =	sld [smem:$0x7D2];
	s5 =	sshra.s32 s4, $0x1F  }
0xdb: {  	s25 =	smul.u32 $0x14F8B589, s5;
	s5 =	sadd.s32 s30, s28;
	s30 =	sld [smem:$0x7C6]  }
0xdc: {  	s28 =	sld [smem:$0x7C7]  }
0xdd: {  	[smem:$0x7F3] =	sst s8  }
0xde: {  	[smem:$0x7EA] =	sst s0  }
0xdf: {  	s30 =	sadd.s32 s30, s28;
	s28 =	sld [smem:$0x7C9]  }
0xe0: {  	[smem:$0x7ED] =	sst s30  }
0xe1: {  	s3 =	sshra.s32 s23, $0x1F;
	s30 =	sld [smem:$0x7C8]  }
0xe2: {  	s7 =	sshrl.u32 s9, $0x1F;
	s19 =	smul.u32 $0x14F8B589, s3;
	s1 =	spop (v2sf)  }
0xe3: {  	s4 =	smulhi.u32 $0x14F8B589, s4;
	s2 =	spop (v2sf);
	s31 =	sshra.s32 s1, $0x1F  }
0xe4: {  	s1 =	smulhi.u32 $0x14F8B589, s1;
	[smem:$0x7EC] =	sst s5;
	s30 =	sadd.s32 s30, s28  }
0xe5: {  	s8 =	sshra.s32 s9, $0xD;
	s31 =	smul.u32 $0x14F8B589, s31;
	[smem:$0x7EE] =	sst s30  }
0xe6: {  	s3 =	spop (v2sf);
	s4 =	sadd.s32 s25, s4;
	s30 =	sld [smem:$0x7CB]  }
0xe7: {  	s0 =	sshra.s32 s2, $0x1F;
	s2 =	smulhi.u32 $0x14F8B589, s2;
	[smem:$0x7F6] =	sst s4  }
0xe8: {  	s5 =	smul.u32 $0x14F8B589, s0;
	s0 =	sshra.s32 s3, $0x1F;
	s28 =	sld [smem:$0x7CA]  }
0xe9: {  	s3 =	smulhi.u32 $0x14F8B589, s3;
	s13 =	sadd.s32 s30, s13;
	s30 =	sld [smem:$0x7CD]  }
0xea: {  	s6 =	sshra.s32 s18, $0xD;
	s0 =	smul.u32 $0x14F8B589, s0;
	[smem:$0x7F0] =	sst s13  }
0xeb: {  	s4 =	sshrl.u32 s15, $0x1F;
	s13 =	smulhi.u32 $0x14F8B589, s23;
	s23 =	sld [smem:$0x7CC]  }
0xec: {  	s29 =	sadd.s32 s5, s2;
	s25 =	sadd.s32 s0, s3;
	s14 =	sadd.s32 s28, s14  }
0xed: {  	s3 =	sshra.s32 s15, $0x1F;
	[smem:$0x7EF] =	sst s14;
	s14 =	sshra.s32 s15, $0xD  }
0xee: {  	s11 =	sadd.s32 s23, s11;
	s23 =	sadd.s32 s30, s12;
	s12 =	sld [smem:$0x7CE]  }
0xef: {  	(v2sf) =	vpush v2, $0xA;
	s15 =	sshra.s32 s16, $0x1F;
	[smem:$0x7F1] =	sst s11;
	s11 =	sadd.s32 s19, s13  }
0xf0: {  	s30 =	sadd.s32 s31, s1;
	[smem:$0x7F5] =	sst s11;
	s11 =	sshra.s32 s17, $0x1F  }
0xf1: {  	s13 =	sshrl.u32 s12, $0x1F;
	s1 =	sshra.s32 s12, $0xD;
	v7 =	vmov s11;
	s12 =	sld [smem:$0x7D3]  }
0xf2: {  	(v2sf) =	vpush v4, $0xF;
	s19 =	sshrl.u32 s18, $0x1F;
	s18 =	sld [smem:$0x7D1];
	s11 =	sshrl.u32 s21, $0x1F;
	v7 =	vsel vm3, s14, v7  }
0xf3: {  	v8 =	vmov s13;
	s13 =	sld [smem:$0x7D4];
	s14 =	sshra.s32 s16, $0xD;
	v7 =	vsel vm9, s3, v7;
	s3 =	sshrl.u32 s16, $0x1F  }
0xf4: {  	v11 =	vmov s4;
	s16 =	sld [smem:$0x7D5];
	v8 =	vsel vm0, s7, v8;
	s7 =	sshra.s32 s21, $0xD;
	s0 =	sshrl.u32 s12, $0x1F  }
0xf5: {  	v11 =	vnsel vm3, $0x0, v11;
	s9 =	sshra.s32 s12, $0xD;
	s12 =	sshra.s32 s21, $0x1F;
	s21 =	sld [smem:$0x7D9]  }
0xf6: {  	v12 =	vmov s6;
	s2 =	sshra.s32 s26, $0x1F;
	s10 =	sshra.s32 s18, $0x1F;
	v11 =	vsel vm0, s3, v11;
	s3 =	sld [smem:$0x7DA]  }
0xf7: {  	v10 =	vmov s1;
	v6 =	vmov s10;
	v7 =	vsel vm0, s14, v7;
	s10 =	sshrl.u32 s13, $0x1F;
	s1 =	sshra.s32 s13, $0xD;
	s13 =	sld [smem:$0x7D6]  }
0xf8: {  	s14 =	sshra.s32 s26, $0xD;
	v7 =	vsel vm10, s15, v7;
	v12 =	vsel vm0, s9, v12;
	s9 =	sshrl.u32 s26, $0x1F;
	s15 =	sld [smem:$0x7D7]  }
0xf9: {  	v9 =	vmov s19;
	v11 =	vsel vm1, s11, v11;
	s11 =	sshra.s32 s17, $0xD;
	s19 =	sshrl.u32 s16, $0x1F;
	s6 =	sshra.s32 s16, $0xD  }
0xfa: {  	v10 =	vsel vm0, s8, v10;
	v7 =	vsel vm1, s7, v7;
	s16 =	sld [smem:$0x7D8];
	v11 =	vsel vm2, s9, v11;
	s9 =	sshra.s32 s24, $0x1F;
	s26 =	sshra.s32 s21, $0xD  }
0xfb: {  	v9 =	vsel vm0, s0, v9;
	v10 =	vsel vm1, s1, v10;
	v7 =	vsel vm11, s12, v7;
	s1 =	sshrl.u32 s21, $0x1F;
	s7 =	sshra.s32 s3, $0x1F;
	s0 =	sshrl.u32 s13, $0x1F  }
0xfc: {  	v8 =	vsel vm1, s10, v8;
	s5 =	sshra.s32 s13, $0xD;
	s10 =	sshrl.u32 s15, $0x1F;
	s4 =	sshra.s32 s15, $0xD;
	v7 =	vsel vm2, s14, v7  }
0xfd: {  	v9 =	vsel vm1, s19, v9;
	s14 =	sshra.s32 s21, $0x1F;
	s19 =	sshra.s32 s16, $0xD;
	s8 =	sshrl.u32 s16, $0x1F;
	v7 =	vsel vm12, s2, v7  }
0xfe: {  	v12 =	vsel vm1, s6, v12;
	s21 =	spop (v2sf);
	s12 =	sshra.s32 s16, $0x1F;
	s16 =	sshrl.u32 s3, $0x1F;
	v7 =	vsel vm4, s19, v7;
	v11 =	vsel vm4, s8, v11  }
0xff: {  	v8 =	vsel vm2, s0, v8;
	s0 =	sshra.s32 s24, $0xD;
	s8 =	sshrl.u32 s24, $0x1F;
	s24 =	sld [smem:$0x7DB];
	v7 =	vsel vm13, s12, v7;
	v11 =	vsel vm5, s1, v11  }
0x100: {  	v12 =	vsel vm2, s4, v12;
	s4 =	smulhi.u32 $0x14F8B589, s21;
	s19 =	sshrl.u32 s17, $0x1F;
	s17 =	rddreg [dreg:$0x4];
	v7 =	vsel vm5, s26, v7;
	v11 =	vsel vm6, s16, v11  }
0x101: {  	s15 =	sshra.s32 s3, $0xD;
	s1 =	spop (v2sf);
	v7 =	vsel vm14, s14, v7;
	v11 =	vsel vm7, s19, v11;
	s19 =	sld [smem:$0x7DC]  }
0x102: {  	(v2sf) =	vpush v4, $0xB;
	s3 =	sshra.s32 s17, $0x1F;
	s26 =	sshra.s32 s21, $0x1F;
	v7 =	vsel vm6, s15, v7;
	s15 =	rddreg [dreg:$0x5]  }
0x103: {  	(v2sf) =	vpush v4, $0x6;
	v9 =	vsel vm2, s10, v9;
	v10 =	vsel vm2, s5, v10;
	s10 =	sshra.s32 s24, $0xD;
	s5 =	sshra.s32 s24, $0x1F;
	s16 =	sshra.s32 s15, $0x1F  }
0x104: {  	s13 =	sshrl.u32 s24, $0x1F;
	s2 =	smul.u32 $0x14F8B589, s26;
	s24 =	sshra.s32 s1, $0x1F;
	v13 =	vmov s16  }
0x105: {  	v7 =	vsel vm15, s7, v7;
	s21 =	sshra.s32 s19, $0xD;
	v13 =	vsel vm3, s0, v13;
	s0 =	smul.u32 $0x14F8B589, s24;
	s24 =	sld [smem:$0x7DD]  }
0x106: {  	v14 =	vmov s3;
	v7 =	vsel vm7, s11, v7;
	s26 =	sshra.s32 s19, $0x1F;
	s11 =	sshrl.u32 s19, $0x1F;
	s19 =	sld [smem:$0x7DE]  }
0x107: {  	v14 =	vsel vm3, s21, v14;
	s21 =	sld [smem:$0x7DF]  }
0x108: {  	(v2sf) =	vpush v3, $0xF;
	v6 =	vsel vm3, s10, v6;
	v13 =	vsel vm9, s9, v13;
	s12 =	sshra.s32 s24, $0xD  }
0x109: {  	v6 =	vsel vm9, s5, v6;
	s14 =	sshra.s32 s19, $0xD;
	v13 =	vsel vm0, s12, v13;
	s12 =	sld [smem:$0x7E2]  }
0x10a: {  	v14 =	vsel vm9, s26, v14;
	s15 =	sshra.s32 s21, $0xD;
	v6 =	vsel vm0, s14, v6;
	s14 =	sld [smem:$0x7E1]  }
0x10b: {  	s16 =	sshra.s32 s24, $0x1F;
	s26 =	sshra.s32 s21, $0x1F;
	v14 =	vsel vm0, s15, v14;
	s15 =	sld [smem:$0x7E0]  }
0x10c: {  	v13 =	vsel vm10, s16, v13;
	v14 =	vsel vm10, s26, v14;
	s16 =	sshra.s32 s12, $0xD  }
0x10d: {  	s17 =	sshra.s32 s19, $0x1F;
	v14 =	vsel vm1, s16, v14;
	s16 =	sld [smem:$0x7E4]  }
0x10e: {  	v6 =	vsel vm10, s17, v6;
	s10 =	sshra.s32 s14, $0xD;
	s7 =	sshra.s32 s15, $0xD  }
0x10f: {  	s6 =	sshra.s32 s14, $0x1F;
	s17 =	sshra.s32 s15, $0x1F;
	v6 =	vsel vm1, s10, v6;
	v13 =	vsel vm1, s7, v13  }
0x110: {  	s10 =	sld [smem:$0x7E3];
	v6 =	vsel vm11, s6, v6;
	v13 =	vsel vm11, s17, v13;
	s17 =	sshra.s32 s16, $0xD  }
0x111: {  	s9 =	spop (v2sf);
	v6 =	vsel vm2, s17, v6;
	s17 =	sld [smem:$0x7E5]  }
0x112: {  	s4 =	sadd.s32 s2, s4;
	s3 =	spop (v2sf)  }
0x113: {  	v15 =	vmov s8;
	s26 =	sshra.s32 s9, $0x1F;
	s7 =	sshra.s32 s12, $0x1F;
	s8 =	sshra.s32 s10, $0xD  }
0x114: {  	s5 =	smul.u32 $0x14F8B589, s26;
	v14 =	vsel vm11, s7, v14;
	v13 =	vsel vm2, s8, v13;
	s8 =	sshra.s32 s10, $0x1F;
	s26 =	sshra.s32 s17, $0xD  }
0x115: {  	v17 =	vmov s11;
	v13 =	vsel vm12, s8, v13;
	s8 =	sshrl.u32 s24, $0x1F;
	s24 =	sld [smem:$0x7E6];
	s11 =	sshra.s32 s17, $0x1F;
	v14 =	vsel vm2, s26, v14  }
0x116: {  	s2 =	smulhi.u32 $0x14F8B589, s9;
	v14 =	vsel vm12, s11, v14;
	s11 =	sshrl.u32 s21, $0x1F;
	s21 =	sld [smem:$0x7E7]  }
0x117: {  	v16 =	vmov s13;
	s6 =	spop (v2sf);
	s13 =	smov.u32 s10;
	s10 =	sshra.s32 s16, $0x1F  }
0x118: {  	v6 =	vsel vm12, s10, v6;
	s10 =	sshrl.u32 s19, $0x1F;
	s19 =	sshra.s32 s24, $0xD;
	s26 =	sshra.s32 s6, $0x1F  }
0x119: {  	(v2sf) =	vpush v3, $0xB;
	v13 =	vsel vm4, s19, v13;
	s19 =	sld [smem:$0x7E8];
	s7 =	smul.u32 $0x14F8B589, s26;
	s26 =	sshra.s32 s21, $0xD  }
0x11a: {  	v17 =	vnsel vm3, $0x0, v17;
	v6 =	vsel vm4, s26, v6;
	s26 =	sld [smem:$0x7EA]  }
0x11b: {  	v15 =	vnsel vm3, $0x0, v15;
	s1 =	smulhi.u32 $0x14F8B589, s1;
	s2 =	sadd.s32 s5, s2;
	v17 =	vsel vm0, s11, v17;
	s11 =	sld [smem:$0x7E9]  }
0x11c: {  	v16 =	vnsel vm3, $0x0, v16;
	s5 =	sshrl.u32 s14, $0x1F;
	v15 =	vsel vm0, s8, v15;
	s14 =	sshra.s32 s24, $0x1F;
	s8 =	sshra.s32 s19, $0xD  }
0x11d: {  	v16 =	vsel vm0, s10, v16;
	s6 =	smulhi.u32 $0x14F8B589, s6;
	v14 =	vsel vm4, s8, v14;
	s8 =	sld [smem:$0x7EB];
	s10 =	sshrl.u32 s26, $0x1F  }
0x11e: {  	v13 =	vsel vm13, s14, v13;
	s14 =	sld [smem:$0x7ED];
	v19 =	vmov s10;
	s10 =	sshrl.u32 s15, $0x1F;
	s15 =	sshra.s32 s11, $0xD  }
0x11f: {  	v8 =	vcombine.low v9, v8;
	v9 =	vcombine.low v12, v10;
	s0 =	sadd.s32 s0, s1;
	s9 =	sshrl.u32 s11, $0x1F;
	v10 =	vmov s15;
	s15 =	sld [smem:$0x7EC]  }
0x120: {  	(v2sf) =	vpush v3, $0x6;
	s1 =	sadd.s32 s7, s6;
	v18 =	vmov s9;
	s9 =	sshrl.u32 s8, $0x1F;
	v15 =	vsel vm1, s10, v15;
	s10 =	sshrl.u32 s12, $0x1F  }
0x121: {  	v8 =	vperm.xlane v8, v0;
	v9 =	vperm.xlane v9, v0;
	s7 =	sshra.s32 s8, $0xD;
	s26 =	sshra.s32 s26, $0xD;
	v17 =	vsel vm1, s10, v17;
	s10 =	sld [smem:$0x7F2]  }
0x122: {  	v11 =	vperm.xlane v11, v1;
	v7 =	vperm.xlane v7, v1;
	v12 =	vmov s26;
	s26 =	sshrl.u32 s15, $0x1F;
	s8 =	sshra.s32 s15, $0xD;
	s15 =	sld [smem:$0x7EE]  }
0x123: {  	(v2sf) =	vpush v2, $0xF;
	v21 =	vmov s26;
	s26 =	sld [smem:$0x7EF]  }
0x124: {  	v8 =	vsel vm8, v11, v8;
	v7 =	vsel vm8, v7, v9;
	v16 =	vsel vm1, s5, v16;
	s5 =	sshrl.u32 s13, $0x1F;
	s6 =	sshra.s32 s14, $0xD;
	s11 =	sshrl.u32 s14, $0x1F  }
0x125: {  	v7 =	vadd.s32 v8, v7;
	v23 =	vmov s6;
	v20 =	vmov s9;
	s6 =	sshrl.u32 s10, $0x1F;
	s9 =	sshrl.u32 s15, $0x1F;
	s12 =	sshra.s32 s15, $0xD  }
0x126: {  	v7 =	vmul.u32 $0x186A0, v7;
	s15 =	sld [smem:$0x7F0];
	s13 =	sshrl.u32 s26, $0x1F;
	s14 =	sshra.s32 s26, $0xD  }
0x127: {  	(v2sf) =	vpush v2, $0xB;
	s26 =	sshra.s32 s21, $0x1F;
	v22 =	vmov s9;
	s9 =	sshra.s32 s10, $0xD;
	s10 =	sshrl.u32 s17, $0x1F  }
0x128: {  	(v2sf) =	vpush v2, $0x6;
	v5 =	vsub.s32 v5, v7;
	v24 =	vmov s12;
	s12 =	spop (v2sf);
	s17 =	sshra.s32 s3, $0x1F;
	s3 =	smulhi.u32 $0x14F8B589, s3  }
0x129: {  	v8 =	vmov s11;
	s11 =	sshrl.u32 s16, $0x1F;
	v7 =	vsel vm2, s5, v15;
	v6 =	vsel vm13, s26, v6;
	s26 =	sld [smem:$0x7F1];
	s5 =	smul.u32 $0x14F8B589, s17  }
0x12a: {  	v9 =	vmov s7;
	v18 =	vsel vm0, s13, v18;
	s13 =	sshra.s32 s12, $0x1F;
	s17 =	sshra.s32 s22, $0xD;
	s7 =	sshrl.u32 s15, $0x1F  }
0x12b: {  	v11 =	vmov s8;
	v10 =	vsel vm0, s14, v10;
	s14 =	sshrl.u32 s24, $0x1F;
	s8 =	sshra.s32 s15, $0xD;
	v19 =	vsel vm0, s7, v19;
	s7 =	simm.s32 $0x0  }
0x12c: {  	s15 =	sshrl.u32 s26, $0x1F;
	s16 =	sshra.s32 s26, $0xD;
	s26 =	sshra.s32 s19, $0x1F  }
0x12d: {  	[tilespmem:s7+$0x300] =	vst v5;
	s7 =	smul.u32 $0x14F8B589, s13;
	s13 =	sld [smem:$0x7F3];
	v14 =	vsel vm13, s26, v14;
	s26 =	simm.s32 $0x0  }
0x12e: {  	v31 =	vsel vm4, s14, v7;
	s14 =	sshrl.u32 s18, $0x1F;
	[dreg:$0x3] =	wrdreg s26;
	s26 =	simm.s32 $0x10  }
0x12f: {  	v12 =	vsel vm0, s8, v12;
	s8 =	spop (v2sf);
	v15 =	vsel vm0, s15, v20;
	s15 =	sshra.s32 s23, $0xD;
	v9 =	vsel vm0, s16, v9;
	s16 =	sld [smem:$0x7F4];
	v20 =	vld [tilespmem:s26+$0x0]  }
0x130: {  	s5 =	sadd.s32 s5, s3;
	[dreg:$0x6] =	wrdreg s14;
	v5 =	vsel vm5, s15, v13;
	v13 =	vsel vm0, s6, v21;
	s6 =	sshra.s32 s8, $0x1F;
	v21 =	vld [tilespmem:s26+$0x80]  }
0x131: {  	v16 =	vsel vm2, s11, v16;
	v11 =	vsel vm0, s9, v11;
	s8 =	smulhi.u32 $0x14F8B589, s8;
	s15 =	sshrl.u32 s13, $0x1F;
	s9 =	sshra.s32 s13, $0xD  }
0x132: {  	v17 =	vsel vm2, s10, v17;
	v6 =	vsel vm5, s17, v6;
	s13 =	sshra.s32 s22, $0x1F;
	s17 =	sshrl.u32 s16, $0x1F;
	v8 =	vsel vm0, s15, v8;
	s15 =	sshra.s32 s16, $0xD  }
0x133: {  	v25 =	vld [tilespmem:s26+$0x100];
	s16 =	sshra.s32 s20, $0xD;
	v27 =	vsel vm14, s13, v6;
	v22 =	vsel vm0, s17, v22;
	v24 =	vsel vm0, s15, v24;
	s17 =	smulhi.u32 $0x14F8B589, s12;
	s12 =	sshra.s32 s23, $0x1F  }
0x134: {  	s10 =	spop (v2sf);
	s6 =	smul.u32 $0x14F8B589, s6;
	s13 =	sshrl.u32 s19, $0x1F;
	v14 =	vsel vm5, s16, v14;
	v26 =	vsel vm14, s12, v5;
	v5 =	vmul.u32 $0x3E, v20  }
0x135: {  	s19 =	sshra.s32 s20, $0x1F;
	s15 =	sshrl.u32 s21, $0x1F;
	s16 =	sshra.s32 s10, $0x1F;
	v28 =	vmul.u32 $0xC2, v20;
	v29 =	vmul.u32 $0x6A, v21;
	v30 =	vmul.u32 $0x9F, v20  }
0x136: {  	v23 =	vsel vm0, s9, v23;
	s6 =	sadd.s32 s6, s8;
	s21 =	sld [smem:$0x7F6];
	s10 =	smulhi.u32 $0x14F8B589, s10;
	v14 =	vsel vm14, s19, v14;
	v6 =	vxor.u32 v5, v21  }
0x137: {  	s12 =	spop (v2sf);
	s19 =	sshrl.u32 s25, $0x1F;
	s3 =	sadd.s32 s7, s17;
	v7 =	vxor.u32 v28, v21;
	v5 =	vxor.u32 v30, v29;
	(v2sf) =	vpush v6, $0x7  }
0x138: {  	v16 =	vsel vm4, s15, v16;
	s8 =	spop (v2sf);
	s17 =	sld [smem:$0x7F5];
	s15 =	sshra.s32 s12, $0x1F;
	v5 =	vxor.u32 v25, v5;
	(v2sf) =	vpush v7, $0x7  }
0x139: {  	v17 =	vsel vm4, s13, v17;
	s24 =	sshrl.u32 s21, $0x1F;
	s9 =	smul.u32 $0x14F8B589, s15;
	s21 =	sshra.s32 s21, $0xD;
	v20 =	vmul.u32 $0x33, v20;
	(v2sf) =	vpush v5, $0xF  }
0x13a: {  	s15 =	sshra.s32 s18, $0xD;
	s18 =	sshra.s32 s29, $0xD;
	v19 =	vsel vm1, s24, v19;
	s24 =	sshrl.u32 s30, $0x1F;
	v12 =	vsel vm1, s21, v12;
	(v2sf) =	vpush v5, $0xB  }
0x13b: {  	s7 =	smul.u32 $0x14F8B589, s16;
	[dreg:$0x7] =	wrdreg s15;
	v11 =	vsel vm1, s18, v11;
	s11 =	sshrl.u32 s17, $0x1F;
	v15 =	vsel vm1, s24, v15;
	(v2sf) =	vpush v5, $0x6  }
0x13c: {  	s15 =	sshrl.u32 s1, $0x1F;
	s16 =	sshra.s32 s17, $0xD;
	s17 =	sshra.s32 s8, $0x1F;
	v21 =	vmul.u32 $0x22, v21;
	v18 =	vsel vm1, s11, v18;
	(v2sf) =	vpush v5, $0xE  }
0x13d: {  	v10 =	vsel vm1, s16, v10;
	s11 =	smul.u32 $0x14F8B589, s17;
	s16 =	sshra.s32 s30, $0xD;
	s17 =	sshrl.u32 s29, $0x1F;
	v62 =	vsel vm2, s15, v15;
	(v2sf) =	vpush v5, $0xA  }
0x13e: {  	s12 =	smulhi.u32 $0x14F8B589, s12;
	s21 =	sshrl.u32 s4, $0x1F;
	s4 =	sshra.s32 s4, $0xD;
	v13 =	vsel vm1, s17, v13;
	v9 =	vsel vm1, s16, v9;
	(v2sf) =	vpush v5, $0xD  }
0x13f: {  	s24 =	sshra.s32 s25, $0xD;
	s25 =	sshrl.u32 s0, $0x1F;
	s30 =	sshrl.u32 s23, $0x1F;
	v20 =	vxor.u32 v20, v21;
	v21 =	vsel vm1, s19, v8;
	(v2sf) =	vpush v5, $0x9  }
0x140: {  	s7 =	sadd.s32 s7, s10;
	s0 =	sshra.s32 s0, $0xD;
	s29 =	sshrl.u32 s2, $0x1F;
	v58 =	vsel vm5, s30, v31;
	v59 =	vsel vm2, s25, v18;
	(v2sf) =	vpush v5, $0x5  }
0x141: {  	s1 =	sshra.s32 s1, $0xD;
	s8 =	smulhi.u32 $0x14F8B589, s8;
	s2 =	sshra.s32 s2, $0xD;
	v60 =	vsel vm2, s29, v19;
	v10 =	vsel vm2, s0, v10;
	(v2sf) =	vpush v5, $0xC  }
0x142: {  	s12 =	sadd.s32 s9, s12;
	s14 =	sshra.s32 s7, $0xD;
	s16 =	sshrl.u32 s3, $0x1F;
	v61 =	vsel vm2, s2, v12;
	v8 =	vxor.u32 v25, v20;
	(v2sf) =	vpush v5, $0x8  }
0x143: {  	s19 =	sshra.s32 s5, $0xD;
	s25 =	sshra.s32 s6, $0xD;
	s29 =	sshrl.u32 s7, $0x1F;
	v20 =	vsel vm1, s21, v22;
	v22 =	vsel vm1, s24, v23;
	(v2sf) =	vpush v5, $0x4  }
0x144: {  	s30 =	sshrl.u32 s12, $0x1F;
	s17 =	sshra.s32 s12, $0xD;
	s9 =	sadd.s32 s11, s8;
	v23 =	vsel vm1, s4, v24;
	v26 =	vsel vm6, s19, v26;
	(v2sf) =	vpush v5, $0x3  }
0x145: {  	s21 =	sshrl.u32 s22, $0x1F;
	s22 =	sshra.s32 s3, $0xD;
	v27 =	vsel vm6, s25, v27;
	s4 =	sshrl.u32 s20, $0x1F;
	v63 =	vsel vm2, s16, v13;
	(v2sf) =	vpush v5, $0x2  }
0x146: {  	s20 =	sshrl.u32 s5, $0x1F;
	v32 =	vsel vm2, s1, v9;
	v12 =	vsel vm2, s29, v21;
	s25 =	sshra.s32 s5, $0x1F;
	s18 =	spop (v2sf);
	(v2sf) =	vpush v5, $0x1  }
0x147: {  	v13 =	vcombine.low v60, v59;
	v16 =	vsel vm5, s21, v16;
	s23 =	smulhi.u32 $0x14F8B589, s18;
	s3 =	sshra.s32 s18, $0x1F;
	s15 =	spop (v2sf);
	(v2sf) =	vpush v5, $0x0  }
0x148: {  	s29 =	sshrl.u32 s6, $0x1F;
	v18 =	vsel vm5, s4, v17;
	v33 =	vsel vm2, s22, v11;
	s24 =	smul.u32 $0x14F8B589, s3;
	s3 =	spop (v2sf);
	(v2sf) =	vpush v5, $0x7  }
0x149: {  	s1 =	simm.s32 $0x80;
	v15 =	vsel vm2, s14, v22;
	v17 =	vsel vm2, s17, v23;
	s21 =	smulhi.u32 $0x14F8B589, s3;
	(v2sf) =	vpush v8, $0x7;
	s4 =	spop (v2sf)  }
0x14a: {  	s19 =	sshra.s32 s9, $0xD;
	v21 =	vsel vm6, s20, v58;
	v11 =	vcombine.low v61, v10;
	s22 =	smulhi.u32 $0x14F8B589, s4;
	(v2sf) =	vpush v8, $0x0;
	s10 =	spop (v2sf)  }
0x14b: {  	v19 =	vsel vm6, s19, v14;
	v14 =	vsel vm2, s30, v20;
	s30 =	sshra.s32 s6, $0x1F;
	s19 =	smulhi.u32 $0x14F8B589, s10;
	(v2sf) =	vpush v6, $0x0;
	s11 =	spop (v2sf)  }
0x14c: {  	v10 =	vcombine.low v63, v62;
	v20 =	vsel vm15, s25, v26;
	s31 =	sadd.s32 s24, s23;
	s23 =	smulhi.u32 $0x14F8B589, s11;
	(v2sf) =	vpush v7, $0x0;
	s18 =	spop (v2sf)  }
0x14d: {  	v22 =	vsel vm6, s29, v16;
	v16 =	vcombine.low v33, v32;
	s0 =	sshra.s32 s31, $0x1F;
	s24 =	smulhi.u32 $0x14F8B589, s18;
	(v2sf) =	vpush v8, $0x1;
	s20 =	spop (v2sf)  }
0x14e: {  	v23 =	vsel vm15, s30, v27;
	s16 =	sshra.s32 s15, $0x1F;
	v9 =	vmov s0;
	s25 =	smulhi.u32 $0x14F8B589, s20;
	(v2sf) =	vpush v6, $0x1;
	s28 =	spop (v2sf)  }
.LBB2_3:
0x14f: {  	[dreg:$0x13] =	wrdreg s16  }
0x150: {  	[dreg:$0xe] =	wrdreg s15  }
0x151: {  	[dreg:$0x8] =	wrdreg s1  }
0x152: {  	s8 =	rddreg [dreg:$0x3]  }
0x153: {  	s15 =	rddreg [dreg:$0x6]  }
0x154: {  	s0 =	smulhi.u32 $0x14F8B589, s28;
	s16 =	rddreg [dreg:$0x7]  }
0x155: {  	s12 =	spop (v2sf);
	s13 =	smov.u32 s26;
	s30 =	rddreg [dreg:$0x5]  }
0x156: {  	s17 =	sshrl.u32 s9, $0x1F;
	s29 =	sshra.s32 s9, $0x1F;
	[dreg:$0x11] =	wrdreg s19  }
0x157: {  	s10 =	sshra.s32 s10, $0x1F;
	[dreg:$0x3] =	wrdreg s13;
	s14 =	smulhi.u32 $0x14F8B589, s12  }
0x158: {  	s19 =	smov.u32 s8;
	s2 =	spop (v2sf);
	v19 =	vsel vm15, s29, v19;
	s29 =	rddreg [dreg:$0x4]  }
0x159: {  	v12 =	vcombine.low v14, v12;
	v14 =	vcombine.low v17, v15;
	v15 =	vsel vm7, s15, v22;
	s6 =	sshrl.u32 s30, $0x1F;
	s15 =	sshrl.u32 s31, $0x1F;
	[smem:$0x754] =	sst s0  }
0x15a: {  	(v2sf) =	vpush v7, $0x1;
	v18 =	vsel vm6, s17, v18;
	s17 =	sshra.s32 s31, $0xD;
	s10 =	smul.u32 $0x14F8B589, s10;
	[dreg:$0x6] =	wrdreg s15  }
0x15b: {  	(v2sf) =	vpush v8, $0x2;
	v17 =	vsel vm7, s16, v23;
	v13 =	vperm.xlane v13, v0;
	s8 =	sshra.s32 s30, $0xD;
	s26 =	smulhi.u32 $0x14F8B589, s2;
	[dreg:$0x7] =	wrdreg s17  }
0x15c: {  	v11 =	vperm.xlane v11, v0;
	v10 =	vperm.xlane v10, v0;
	s13 =	spop (v2sf);
	v21 =	vsel vm7, s6, v21;
	s6 =	sshrl.u32 s29, $0x1F;
	[smem:$0x755] =	sst s14  }
0x15d: {  	v16 =	vperm.xlane v16, v0;
	v17 =	vperm.xlane v17, v1;
	s14 =	smulhi.u32 $0x14F8B589, s13;
	s9 =	spop (v2sf);
	v18 =	vsel vm7, s6, v18;
	s6 =	sshra.s32 s29, $0xD  }
0x15e: {  	(v2sf) =	vpush v6, $0x2;
	v15 =	vperm.xlane v15, v1;
	v12 =	vperm.xlane v12, v0;
	s29 =	sshra.s32 s4, $0x1F;
	[smem:$0x753] =	sst s26;
	s5 =	smulhi.u32 $0x14F8B589, s9  }
0x15f: {  	v20 =	vsel vm7, s8, v20;
	v14 =	vperm.xlane v14, v0;
	v21 =	vperm.xlane v21, v1;
	s7 =	spop (v2sf);
	s0 =	smul.u32 $0x14F8B589, s29  }
0x160: {  	(v2sf) =	vpush v7, $0x2;
	v20 =	vperm.xlane v20, v1;
	v18 =	vperm.xlane v18, v1;
	s16 =	smulhi.u32 $0x14F8B589, s7;
	s15 =	spop (v2sf)  }
0x161: {  	v19 =	vsel vm7, s6, v19;
	v10 =	vsel vm8, v15, v10;
	v15 =	vsel vm8, v17, v16;
	[smem:$0x756] =	sst s5;
	s26 =	smulhi.u32 $0x14F8B589, s15  }
0x162: {  	v19 =	vperm.xlane v19, v1;
	v11 =	vsel vm8, v20, v11;
	v13 =	vsel vm8, v21, v13;
	[smem:$0x758] =	sst s16;
	s16 =	spop (v2sf)  }
0x163: {  	p0 =	sne.s32 s1, $0x1C0;
	(v2sf) =	vpush v8, $0x3;
	v10 =	vadd.s32 v10, v15;
	v11 =	vadd.s32 v13, v11;
	[smem:$0x757] =	sst s26;
	s5 =	spop (v2sf)  }
0x164: {  	s8 =	smov.u32 s21;
	v12 =	vsel vm8, v18, v12;
	v14 =	vsel vm8, v19, v14;
	v11 =	vmul.u32 $0x186A0, v11;
	s31 =	smulhi.u32 $0x14F8B589, s16;
	s21 =	spop (v2sf)  }
0x165: {  	(v2sf) =	vpush v6, $0x3;
	v10 =	vmul.u32 $0x186A0, v10;
	v12 =	vadd.s32 v12, v14;
	s30 =	smulhi.u32 $0x14F8B589, s5;
	s5 =	sshra.s32 s5, $0x1F;
	s17 =	spop (v2sf)  }
0x166: {  	s3 =	sshra.s32 s3, $0x1F;
	(v2sf) =	vpush v7, $0x3;
	v12 =	vmul.u32 $0x186A0, v12;
	v11 =	vsub.s32 v4, v11;
	s5 =	smul.u32 $0x14F8B589, s5;
	[dreg:$0x1e] =	wrdreg s17  }
0x167: {  	s11 =	sshra.s32 s11, $0x1F;
	(v2sf) =	vpush v8, $0x4;
	v4 =	vmov v8;
	v8 =	vsub.s32 v3, v10;
	[tilespmem:s19+$0x280] =	vst v11;
	s17 =	smul.u32 $0x14F8B589, s3;
	s1 =	spop (v2sf)  }
0x168: {  	s13 =	sshra.s32 s13, $0x1F;
	[tilespmem:s19+$0x180] =	vst v8;
	v10 =	vsub.s32 v2, v12;
	[dreg:$0x1c] =	wrdreg s1;
	s4 =	spop (v2sf)  }
0x169: {  	[tilespmem:s19+$0x200] =	vst v10;
	s19 =	smul.u32 $0x14F8B589, s13;
	s5 =	sadd.s32 s5, s30;
	s30 =	sld [smem:$0x757]  }
0x16a: {  	s18 =	sshra.s32 s18, $0x1F;
	(v2sf) =	vpush v6, $0x4;
	[dreg:$0x1d] =	wrdreg s4;
	s6 =	spop (v2sf)  }
0x16b: {  	(v2sf) =	vpush v7, $0x4;
	s3 =	smul.u32 $0x14F8B589, s18;
	s1 =	sshra.s32 s20, $0x1F;
	[dreg:$0x1f] =	wrdreg s6  }
0x16c: {  	s29 =	spop (v2sf);
	s14 =	sadd.s32 s19, s14;
	s19 =	sld [smem:$0x758]  }
0x16d: {  	s4 =	smov.u32 s24;
	s24 =	smul.u32 $0x14F8B589, s11;
	[smem:$0x759] =	sst s29  }
0x16e: {  	s6 =	sshra.s32 s28, $0x1F;
	s11 =	spop (v2sf);
	s29 =	smul.u32 $0x14F8B589, s1  }
0x16f: {  	s12 =	sshra.s32 s12, $0x1F;
	s1 =	smul.u32 $0x14F8B589, s6;
	s18 =	spop (v2sf)  }
0x170: {  	s6 =	smul.u32 $0x14F8B589, s12;
	s20 =	spop (v2sf)  }
0x171: {  	[smem:$0x75A] =	sst s20;
	s20 =	spop (v2sf)  }
0x172: {  	s24 =	sadd.s32 s24, s23;
	s23 =	sld [smem:$0x756];
	s12 =	spop (v2sf)  }
0x173: {  	[smem:$0x75B] =	sst s12;
	s13 =	spop (v2sf)  }
0x174: {  	s9 =	sshra.s32 s9, $0x1F;
	[smem:$0x75C] =	sst s13;
	s28 =	spop (v2sf)  }
0x175: {  	s13 =	smul.u32 $0x14F8B589, s9;
	s9 =	sshra.s32 s15, $0x1F;
	s15 =	spop (v2sf)  }
0x176: {  	s26 =	smulhi.u32 $0x14F8B589, s21;
	[smem:$0x75D] =	sst s15  }
0x177: {  	s15 =	sshra.s32 s16, $0x1F;
	s16 =	smul.u32 $0x14F8B589, s9;
	s12 =	spop (v2sf)  }
0x178: {  	[dreg:$0x15] =	wrdreg s12;
	s9 =	smul.u32 $0x14F8B589, s15  }
0x179: {  	s7 =	sshra.s32 s7, $0x1F;
	s15 =	spop (v2sf);
	s12 =	sld [smem:$0x754]  }
0x17a: {  	[dreg:$0x18] =	wrdreg s15;
	s15 =	sshra.s32 s21, $0x1F;
	s21 =	spop (v2sf)  }
0x17b: {  	s2 =	sshra.s32 s2, $0x1F;
	s7 =	smul.u32 $0x14F8B589, s7;
	[dreg:$0x17] =	wrdreg s21  }
0x17c: {  	s2 =	smul.u32 $0x14F8B589, s2;
	s21 =	sadd.s32 s17, s8;
	s8 =	sld [smem:$0x753]  }
0x17d: {  	s7 =	sadd.s32 s7, s19;
	s17 =	sadd.s32 s0, s22;
	s22 =	sld [smem:$0x755]  }
0x17e: {  	s29 =	sadd.s32 s29, s25;
	s19 =	sshrl.u32 s7, $0x1F;
	s0 =	smul.u32 $0x14F8B589, s15  }
0x17f: {  	s15 =	sadd.s32 s3, s4;
	s9 =	sadd.s32 s9, s31;
	s25 =	sadd.s32 s2, s8  }
0x180: {  	s2 =	sadd.s32 s1, s12;
	s1 =	sadd.s32 s6, s22;
	s6 =	sadd.s32 s13, s23  }
0x181: {  	s8 =	sadd.s32 s0, s26;
	s0 =	sadd.s32 s16, s30;
	s12 =	sshra.s32 s5, $0xD  }
0x182: {  	s16 =	sshrl.u32 s14, $0x1F;
	s23 =	sshra.s32 s5, $0x1F;
	s5 =	sshrl.u32 s5, $0x1F  }
0x183: {  	s26 =	sshra.s32 s9, $0xD;
	s30 =	sshrl.u32 s29, $0x1F;
	s13 =	rddreg [dreg:$0x1e]  }
0x184: {  	(v2sf) =	vpush v4, $0xC;
	s3 =	sshra.s32 s8, $0x1F;
	s4 =	sshrl.u32 s25, $0x1F;
	s22 =	sshra.s32 s25, $0xD  }
0x185: {  	v3 =	vmov v6;
	(v2sf) =	vpush v4, $0x8;
	v8 =	vmov s16;
	s25 =	sshra.s32 s14, $0xD;
	s14 =	sshra.s32 s0, $0xD;
	s16 =	sshrl.u32 s24, $0x1F  }
0x186: {  	v2 =	vmovc v7;
	(v2sf) =	vpush v3, $0xC;
	s24 =	sshra.s32 s24, $0xD;
	v6 =	vmov s3;
	v7 =	vmov s4;
	s3 =	sshrl.u32 s2, $0x1F;
	s4 =	sshra.s32 s9, $0x1F  }
0x187: {  	(v2sf) =	vpush v3, $0x8;
	v10 =	vmov s22;
	v12 =	vmov s25;
	s2 =	sshra.s32 s2, $0xD;
	s22 =	sshra.s32 s0, $0x1F;
	s25 =	sshra.s32 s7, $0xD  }
0x188: {  	(v2sf) =	vpush v2, $0xC;
	v11 =	vmov s5;
	s0 =	sshrl.u32 s0, $0x1F;
	v6 =	vsel vm3, s12, v6;
	s12 =	sshra.s32 s29, $0xD;
	s29 =	sshra.s32 s15, $0xD  }
0x189: {  	v11 =	vnsel vm3, $0x0, v11;
	v7 =	vsel vm0, s30, v7;
	v8 =	vsel vm0, s3, v8;
	s30 =	sshra.s32 s7, $0x1F;
	s3 =	sshrl.u32 s21, $0x1F;
	s7 =	sshrl.u32 s8, $0x1F  }
0x18a: {  	v12 =	vsel vm0, s2, v12;
	v6 =	vsel vm9, s23, v6;
	v10 =	vsel vm0, s12, v10;
	s23 =	sshrl.u32 s15, $0x1F;
	s12 =	sshra.s32 s6, $0xD;
	s15 =	sshra.s32 s21, $0xD  }
0x18b: {  	v7 =	vsel vm1, s16, v7;
	v12 =	vsel vm1, s29, v12;
	s16 =	sshra.s32 s6, $0x1F;
	s29 =	sshrl.u32 s1, $0x1F;
	v6 =	vsel vm0, s26, v6;
	s26 =	sshrl.u32 s9, $0x1F  }
0x18c: {  	v10 =	vsel vm1, s24, v10;
	s9 =	sshra.s32 s8, $0xD;
	s8 =	sshra.s32 s11, $0x1F;
	s11 =	smulhi.u32 $0x14F8B589, s11;
	v6 =	vsel vm10, s4, v6;
	v11 =	vsel vm0, s26, v11  }
0x18d: {  	s24 =	rddreg [dreg:$0x11];
	v10 =	vsel vm2, s15, v10;
	s15 =	sshra.s32 s13, $0x1F;
	s8 =	smul.u32 $0x14F8B589, s8;
	v6 =	vsel vm1, s14, v6;
	v11 =	vsel vm1, s0, v11  }
0x18e: {  	s4 =	sshrl.u32 s17, $0x1F;
	s14 =	rddreg [dreg:$0x1d];
	v6 =	vsel vm11, s22, v6;
	v11 =	vsel vm2, s19, v11;
	s19 =	smul.u32 $0x14F8B589, s15  }
0x18f: {  	v8 =	vsel vm1, s23, v8;
	s15 =	sld [smem:$0x759];
	s8 =	sadd.s32 s8, s11;
	v6 =	vsel vm2, s25, v6;
	s25 =	sadd.s32 s10, s24  }
0x190: {  	v7 =	vsel vm2, s3, v7;
	s23 =	sshrl.u32 s6, $0x1F;
	v8 =	vsel vm2, s4, v8;
	[smem:$0x76B] =	sst s8;
	v6 =	vsel vm12, s30, v6;
	s30 =	sshra.s32 s25, $0xD  }
0x191: {  	v7 =	vcombine.low v8, v7;
	v8 =	vsel vm4, s23, v11;
	s4 =	sshrl.u32 s25, $0x1F;
	s5 =	sshra.s32 s25, $0x1F;
	s25 =	rddreg [dreg:$0xe]  }
0x192: {  	s21 =	sshra.s32 s17, $0xD;
	s24 =	smulhi.u32 $0x14F8B589, s13;
	v8 =	vsel vm5, s29, v8;
	v6 =	vsel vm4, s12, v6;
	s12 =	rddreg [dreg:$0x13]  }
0x193: {  	s22 =	sshra.s32 s1, $0xD;
	s3 =	spop (v2sf);
	v8 =	vsel vm6, s4, v8;
	s4 =	rddreg [dreg:$0x1c]  }
0x194: {  	s29 =	sadd.s32 s19, s24;
	s24 =	smulhi.u32 $0x14F8B589, s14;
	[dreg:$0x12] =	wrdreg s3  }
0x195: {  	s13 =	sshra.s32 s18, $0x1F;
	s6 =	spop (v2sf);
	s2 =	smul.u32 $0x14F8B589, s12  }
0x196: {  	s17 =	sshra.s32 s4, $0x1F;
	[dreg:$0x5] =	wrdreg s29;
	s3 =	smul.u32 $0x14F8B589, s13  }
0x197: {  	v6 =	vsel vm13, s16, v6;
	s12 =	smov.u32 s28;
	[smem:$0x75E] =	sst s6;
	s10 =	spop (v2sf)  }
0x198: {  	v6 =	vsel vm5, s22, v6;
	s22 =	sshra.s32 s14, $0x1F;
	s14 =	sshra.s32 s28, $0x1F;
	s28 =	sld [smem:$0x75D]  }
0x199: {  	s26 =	sshra.s32 s1, $0x1F;
	s0 =	smul.u32 $0x14F8B589, s17;
	[smem:$0x75F] =	sst s10  }
0x19a: {  	v6 =	vsel vm14, s26, v6;
	s16 =	spop (v2sf);
	s26 =	smulhi.u32 $0x14F8B589, s25  }
0x19b: {  	v12 =	vsel vm2, s21, v12;
	s19 =	sshra.s32 s29, $0x1F;
	[smem:$0x760] =	sst s16;
	s21 =	spop (v2sf)  }
0x19c: {  	s10 =	sshra.s32 s15, $0x1F;
	s15 =	smulhi.u32 $0x14F8B589, s15;
	(v2sf) =	vpush v2, $0x8;
	[smem:$0x761] =	sst s21  }
0x19d: {  	v6 =	vsel vm6, s30, v6;
	s30 =	smul.u32 $0x14F8B589, s22;
	s16 =	sshra.s32 s20, $0x1F;
	s21 =	rddreg [dreg:$0x1f];
	(v2sf) =	vpush v4, $0xD  }
0x19e: {  	v10 =	vcombine.low v12, v10;
	v7 =	vperm.xlane v7, v0;
	s17 =	sadd.s32 s2, s26;
	s26 =	sld [smem:$0x75B];
	s11 =	smul.u32 $0x14F8B589, s16  }
0x19f: {  	v8 =	vsel vm7, s7, v8;
	v6 =	vsel vm15, s5, v6;
	s23 =	sshra.s32 s21, $0x1F;
	(v2sf) =	vpush v4, $0x9;
	[dreg:$0x4] =	wrdreg s17;
	s29 =	smulhi.u32 $0x14F8B589, s21  }
0x1a0: {  	v8 =	vperm.xlane v8, v1;
	v6 =	vsel vm7, s9, v6;
	s22 =	sshra.s32 s17, $0x1F;
	s17 =	sld [smem:$0x75A];
	(v2sf) =	vpush v4, $0x5;
	s5 =	smul.u32 $0x14F8B589, s23  }
0x1a1: {  	v10 =	vperm.xlane v10, v0;
	s25 =	rddreg [dreg:$0x3];
	v6 =	vperm.xlane v6, v1;
	s23 =	smulhi.u32 $0x14F8B589, s4;
	(v2sf) =	vpush v3, $0xD  }
0x1a2: {  	v7 =	vsel vm8, v8, v7;
	v8 =	vmov s22;
	s22 =	sld [smem:$0x75C];
	s4 =	smul.u32 $0x14F8B589, s10;
	s2 =	sshra.s32 s26, $0x1F  }
0x1a3: {  	v6 =	vsel vm8, v6, v10;
	s9 =	sshra.s32 s17, $0x1F;
	s21 =	sadd.s32 s5, s29;
	s29 =	rddreg [dreg:$0x18]  }
0x1a4: {  	s6 =	sadd.s32 s0, s23;
	s2 =	smul.u32 $0x14F8B589, s2;
	v6 =	vadd.s32 v7, v6;
	s1 =	sshra.s32 s29, $0x1F  }
0x1a5: {  	(v2sf) =	vpush v3, $0x9;
	s0 =	sadd.s32 s30, s24;
	s15 =	sadd.s32 s4, s15;
	v6 =	vmul.u32 $0x186A0, v6;
	s1 =	smul.u32 $0x14F8B589, s1  }
0x1a6: {  	(v2sf) =	vpush v3, $0x5;
	s30 =	sshra.s32 s6, $0xD;
	s7 =	sshra.s32 s0, $0xD;
	[smem:$0x76A] =	sst s15  }
0x1a7: {  	v7 =	vmov s19;
	s10 =	sshra.s32 s21, $0xD;
	s23 =	sshra.s32 s0, $0x1F;
	v5 =	vsub.s32 v5, v6;
	v6 =	vsel vm3, s7, v9;
	[smem:$0x765] =	sst s1  }
0x1a8: {  	s13 =	sshra.s32 s6, $0x1F;
	[tilespmem:s25+$0x300] =	vst v5;
	v5 =	vsel vm3, s30, v7;
	v6 =	vsel vm9, s23, v6;
	s23 =	rddreg [dreg:$0x15];
	s30 =	smulhi.u32 $0x14F8B589, s18  }
0x1a9: {  	s24 =	sshra.s32 s21, $0x1F;
	s4 =	smul.u32 $0x14F8B589, s9;
	v7 =	vsel vm3, s10, v8;
	s10 =	rddreg [dreg:$0x12]  }
0x1aa: {  	(v2sf) =	vpush v2, $0xD;
	v7 =	vsel vm9, s24, v7;
	s24 =	rddreg [dreg:$0x17];
	s9 =	sadd.s32 s3, s30;
	s3 =	smulhi.u32 $0x14F8B589, s20  }
0x1ab: {  	v5 =	vsel vm9, s13, v5;
	[smem:$0x76C] =	sst s9;
	s13 =	spop (v2sf)  }
0x1ac: {  	s19 =	sshra.s32 s22, $0x1F;
	(v2sf) =	vpush v2, $0x9;
	[smem:$0x762] =	sst s13;
	s16 =	spop (v2sf)  }
0x1ad: {  	s18 =	sshra.s32 s15, $0xD;
	[smem:$0x763] =	sst s16;
	s16 =	smulhi.u32 $0x14F8B589, s17  }
0x1ae: {  	s13 =	smov.u32 s8;
	s30 =	spop (v2sf);
	s17 =	smulhi.u32 $0x14F8B589, s26  }
0x1af: {  	v5 =	vsel vm0, s18, v5;
	s8 =	sshra.s32 s8, $0xD;
	[smem:$0x764] =	sst s30;
	s18 =	spop (v2sf)  }
0x1b0: {  	(v2sf) =	vpush v2, $0x5;
	s30 =	sshra.s32 s9, $0xD;
	[dreg:$0x1a] =	wrdreg s18;
	s18 =	spop (v2sf)  }
0x1b1: {  	v7 =	vsel vm0, s30, v7;
	s30 =	sshra.s32 s13, $0x1F;
	s13 =	sshra.s32 s9, $0x1F;
	s9 =	sadd.s32 s11, s3  }
0x1b2: {  	v6 =	vsel vm0, s8, v6;
	s8 =	sadd.s32 s2, s17;
	s2 =	smul.u32 $0x14F8B589, s19;
	[dreg:$0x1b] =	wrdreg s18  }
0x1b3: {  	s25 =	sshra.s32 s28, $0x1F;
	s3 =	smul.u32 $0x14F8B589, s14;
	[smem:$0x778] =	sst s9  }
0x1b4: {  	s20 =	sshra.s32 s15, $0x1F;
	s26 =	spop (v2sf);
	[smem:$0x77C] =	sst s8  }
0x1b5: {  	(v2sf) =	vpush v4, $0xE;
	v6 =	vsel vm10, s30, v6;
	s11 =	sshra.s32 s9, $0xD;
	[dreg:$0x19] =	wrdreg s26;
	s15 =	spop (v2sf)  }
0x1b6: {  	s26 =	sadd.s32 s4, s16;
	v6 =	vsel vm1, s11, v6;
	s11 =	sshra.s32 s8, $0xD;
	s16 =	smulhi.u32 $0x14F8B589, s22  }
0x1b7: {  	s22 =	sshra.s32 s9, $0x1F;
	s9 =	sshra.s32 s8, $0x1F;
	s8 =	sld [smem:$0x75E]  }
0x1b8: {  	(v2sf) =	vpush v4, $0xA;
	s7 =	sshra.s32 s23, $0x1F;
	s14 =	smul.u32 $0x14F8B589, s25;
	[smem:$0x779] =	sst s15  }
0x1b9: {  	v7 =	vsel vm10, s13, v7;
	s31 =	spop (v2sf);
	s4 =	sshra.s32 s26, $0xD;
	[smem:$0x777] =	sst s26  }
0x1ba: {  	v5 =	vsel vm10, s20, v5;
	v7 =	vsel vm1, s11, v7;
	s20 =	sshra.s32 s26, $0x1F;
	s26 =	smulhi.u32 $0x14F8B589, s28;
	[smem:$0x77A] =	sst s31  }
0x1bb: {  	(v2sf) =	vpush v3, $0xE;
	s5 =	sshra.s32 s24, $0x1F;
	s19 =	spop (v2sf);
	v7 =	vsel vm11, s9, v7;
	s9 =	sld [smem:$0x762]  }
0x1bc: {  	(v2sf) =	vpush v3, $0xA;
	s18 =	smulhi.u32 $0x14F8B589, s12;
	s11 =	sadd.s32 s2, s16;
	[smem:$0x77B] =	sst s19  }
0x1bd: {  	v5 =	vsel vm1, s4, v5;
	s2 =	sadd.s32 s14, s26;
	s14 =	smul.u32 $0x14F8B589, s7;
	s7 =	sld [smem:$0x75F]  }
0x1be: {  	(v2sf) =	vpush v2, $0xE;
	v5 =	vsel vm11, s20, v5;
	s20 =	sadd.s32 s3, s18;
	s18 =	smul.u32 $0x14F8B589, s5;
	s5 =	sld [smem:$0x760]  }
0x1bf: {  	(v2sf) =	vpush v2, $0xA;
	s13 =	spop (v2sf);
	[smem:$0x784] =	sst s11  }
0x1c0: {  	[smem:$0x77D] =	sst s13  }
0x1c1: {  	(v2sf) =	vpush v4, $0xF;
	[smem:$0x786] =	sst s20  }
0x1c2: {  	(v2sf) =	vpush v4, $0xB;
	s19 =	sshra.s32 s19, $0x1F;
	[smem:$0x78A] =	sst s2  }
0x1c3: {  	(v2sf) =	vpush v4, $0x6;
	[smem:$0x775] =	sst s19  }
0x1c4: {  	(v2sf) =	vpush v3, $0xF;
	s30 =	spop (v2sf);
	s19 =	sld [smem:$0x765]  }
0x1c5: {  	[smem:$0x768] =	sst s30  }
0x1c6: {  	(v2sf) =	vpush v3, $0xB;
	[smem:$0x766] =	sst s14  }
0x1c7: {  	(v2sf) =	vpush v3, $0x6;
	s17 =	spop (v2sf);
	[smem:$0x767] =	sst s18  }
0x1c8: {  	s18 =	smulhi.u32 $0x14F8B589, s29;
	s29 =	sld [smem:$0x761]  }
0x1c9: {  	s14 =	sshra.s32 s8, $0x1F;
	[smem:$0x769] =	sst s17  }
0x1ca: {  	(v2sf) =	vpush v2, $0xF;
	s25 =	spop (v2sf);
	s14 =	smul.u32 $0x14F8B589, s14  }
0x1cb: {  	[smem:$0x785] =	sst s25;
	s30 =	spop (v2sf)  }
0x1cc: {  	[smem:$0x787] =	sst s30  }
0x1cd: {  	s15 =	spop (v2sf);
	[smem:$0x76F] =	sst s14  }
0x1ce: {  	(v2sf) =	vpush v2, $0xB;
	s28 =	sshra.s32 s7, $0x1F;
	[smem:$0x788] =	sst s15;
	s12 =	spop (v2sf)  }
0x1cf: {  	s14 =	smul.u32 $0x14F8B589, s28;
	s15 =	sshra.s32 s15, $0x1F;
	[smem:$0x789] =	sst s12  }
0x1d0: {  	(v2sf) =	vpush v2, $0x6;
	s16 =	spop (v2sf);
	[smem:$0x782] =	sst s15  }
0x1d1: {  	[dreg:$0xc] =	wrdreg s16;
	s17 =	spop (v2sf)  }
0x1d2: {  	v6 =	vsel vm11, s22, v6;
	[dreg:$0xb] =	wrdreg s17;
	s22 =	spop (v2sf)  }
0x1d3: {  	s17 =	sshra.s32 s5, $0x1F;
	[dreg:$0x9] =	wrdreg s22;
	s26 =	spop (v2sf)  }
0x1d4: {  	s28 =	smul.u32 $0x14F8B589, s17;
	s17 =	sshra.s32 s31, $0x1F;
	[dreg:$0xa] =	wrdreg s26  }
0x1d5: {  	s10 =	sshra.s32 s10, $0x1F;
	s3 =	spop (v2sf);
	[smem:$0x774] =	sst s17  }
0x1d6: {  	s26 =	sshra.s32 s11, $0xD;
	[dreg:$0xd] =	wrdreg s3;
	s4 =	spop (v2sf)  }
0x1d7: {  	v5 =	vsel vm2, s26, v5;
	s26 =	smul.u32 $0x14F8B589, s10;
	s10 =	rddreg [dreg:$0x1b]  }
0x1d8: {  	s0 =	sshrl.u32 s0, $0x1F;
	[dreg:$0xf] =	wrdreg s4  }
0x1d9: {  	v9 =	vmov s0;
	s4 =	spop (v2sf);
	s0 =	sshra.s32 s10, $0x1F;
	s10 =	sld [smem:$0x779]  }
0x1da: {  	[dreg:$0x10] =	wrdreg s4  }
0x1db: {  	[smem:$0x76D] =	sst s26  }
0x1dc: {  	s6 =	sshrl.u32 s6, $0x1F;
	[smem:$0x771] =	sst s0  }
0x1dd: {  	v8 =	vmov s6;
	s3 =	smov.u32 s11;
	s6 =	spop (v2sf);
	s26 =	rddreg [dreg:$0x1a]  }
0x1de: {  	s11 =	sshrl.u32 s21, $0x1F;
	s4 =	smov.u32 s20;
	[dreg:$0x16] =	wrdreg s6  }
0x1df: {  	s20 =	sshra.s32 s20, $0xD;
	s21 =	spop (v2sf);
	s6 =	sld [smem:$0x763]  }
0x1e0: {  	v6 =	vsel vm2, s20, v6;
	s20 =	sshra.s32 s2, $0xD;
	[dreg:$0x14] =	wrdreg s21  }
0x1e1: {  	s0 =	sshra.s32 s26, $0x1F;
	v7 =	vsel vm2, s20, v7;
	s20 =	sld [smem:$0x764]  }
0x1e2: {  	s26 =	sshra.s32 s13, $0x1F;
	[smem:$0x770] =	sst s0  }
0x1e3: {  	s16 =	smulhi.u32 $0x14F8B589, s23;
	s23 =	sshra.s32 s9, $0x1F;
	[smem:$0x776] =	sst s26  }
0x1e4: {  	s13 =	sshra.s32 s2, $0x1F;
	s26 =	smul.u32 $0x14F8B589, s23;
	s23 =	sld [smem:$0x766]  }
0x1e5: {  	v7 =	vsel vm12, s13, v7;
	s13 =	sshra.s32 s30, $0x1F;
	s30 =	sld [smem:$0x76B]  }
0x1e6: {  	[smem:$0x781] =	sst s13;
	s1 =	sshra.s32 s20, $0x1F  }
0x1e7: {  	s23 =	sadd.s32 s23, s16;
	s16 =	sshra.s32 s12, $0x1F;
	s12 =	sld [smem:$0x76C]  }
0x1e8: {  	[smem:$0x76E] =	sst s1  }
0x1e9: {  	s1 =	rddreg [dreg:$0x19]  }
0x1ea: {  	[smem:$0x783] =	sst s16  }
0x1eb: {  	s16 =	rddreg [dreg:$0x9];
	s0 =	sshra.s32 s1, $0x1F;
	s1 =	sshra.s32 s3, $0x1F  }
0x1ec: {  	s3 =	sshra.s32 s4, $0x1F;
	s4 =	sadd.s32 s19, s18;
	s19 =	sld [smem:$0x768]  }
0x1ed: {  	s18 =	sld [smem:$0x76A]  }
0x1ee: {  	s22 =	sshra.s32 s29, $0x1F;
	[smem:$0x772] =	sst s0  }
0x1ef: {  	s0 =	sshra.s32 s10, $0x1F;
	s10 =	smul.u32 $0x14F8B589, s22;
	s22 =	rddreg [dreg:$0x12]  }
0x1f0: {  	v5 =	vsel vm12, s1, v5;
	s1 =	sld [smem:$0x767]  }
0x1f1: {  	[smem:$0x793] =	sst s4  }
0x1f2: {  	s24 =	smulhi.u32 $0x14F8B589, s24;
	[smem:$0x773] =	sst s0  }
0x1f3: {  	s2 =	smulhi.u32 $0x14F8B589, s22;
	s22 =	sld [smem:$0x769]  }
0x1f4: {  	s0 =	smulhi.u32 $0x14F8B589, s29;
	s29 =	sld [smem:$0x76E]  }
0x1f5: {  	v6 =	vsel vm12, s3, v6;
	s13 =	sshrl.u32 s12, $0x1F;
	s3 =	sshra.s32 s19, $0x1F;
	s12 =	sld [smem:$0x773]  }
0x1f6: {  	s17 =	sadd.s32 s1, s24;
	[smem:$0x77E] =	sst s3;
	s1 =	smulhi.u32 $0x14F8B589, s7  }
0x1f7: {  	s7 =	sshra.s32 s25, $0x1F;
	s24 =	sshrl.u32 s18, $0x1F;
	s18 =	sld [smem:$0x76D]  }
0x1f8: {  	s31 =	smulhi.u32 $0x14F8B589, s9;
	s9 =	sshra.s32 s4, $0xD;
	[smem:$0x780] =	sst s7  }
0x1f9: {  	s3 =	smulhi.u32 $0x14F8B589, s8;
	s8 =	sshra.s32 s22, $0x1F;
	[smem:$0x794] =	sst s17  }
0x1fa: {  	v9 =	vnsel vm3, $0x0, v9;
	s25 =	smulhi.u32 $0x14F8B589, s5;
	s7 =	sshrl.u32 s30, $0x1F;
	[smem:$0x77F] =	sst s8  }
0x1fb: {  	s15 =	sshra.s32 s17, $0xD;
	v9 =	vsel vm0, s7, v9;
	s7 =	smov.u32 s4;
	s4 =	sld [smem:$0x771]  }
0x1fc: {  	s5 =	sadd.s32 s14, s1;
	s1 =	sadd.s32 s10, s0;
	s10 =	rddreg [dreg:$0xc]  }
0x1fd: {  	v7 =	vsel vm4, s15, v7;
	s15 =	rddreg [dreg:$0xb]  }
0x1fe: {  	s0 =	sadd.s32 s26, s31;
	s26 =	rddreg [dreg:$0xa]  }
0x1ff: {  	s31 =	smul.u32 $0x14F8B589, s12;
	s12 =	sld [smem:$0x775]  }
0x200: {  	v10 =	vmov s11;
	s8 =	sshra.s32 s23, $0xD;
	s30 =	sadd.s32 s18, s2;
	s2 =	sld [smem:$0x76F]  }
0x201: {  	v10 =	vnsel vm3, $0x0, v10;
	v5 =	vsel vm4, s8, v5;
	s8 =	sld [smem:$0x772]  }
0x202: {  	v10 =	vsel vm0, s13, v10;
	s13 =	sadd.s32 s28, s25;
	s25 =	sshra.s32 s10, $0x1F;
	s10 =	rddreg [dreg:$0x10]  }
0x203: {  	v8 =	vnsel vm3, $0x0, v8;
	s11 =	sshra.s32 s6, $0x1F;
	v6 =	vsel vm4, s9, v6;
	s9 =	smul.u32 $0x14F8B589, s4;
	s4 =	sld [smem:$0x774]  }
0x204: {  	v8 =	vsel vm0, s24, v8;
	s24 =	smul.u32 $0x14F8B589, s11;
	s11 =	sadd.s32 s2, s3;
	s3 =	sld [smem:$0x770]  }
0x205: {  	s18 =	smul.u32 $0x14F8B589, s8;
	s8 =	rddreg [dreg:$0xf]  }
0x206: {  	s2 =	sshra.s32 s15, $0x1F;
	s15 =	rddreg [dreg:$0x16]  }
0x207: {  	[smem:$0x78B] =	sst s2  }
0x208: {  	s2 =	sshra.s32 s16, $0x1F;
	s16 =	sld [smem:$0x776]  }
0x209: {  	[smem:$0x78C] =	sst s2  }
0x20a: {  	s2 =	sshra.s32 s26, $0x1F;
	s26 =	sshra.s32 s21, $0x1F;
	s21 =	sld [smem:$0x777]  }
0x20b: {  	[smem:$0x78D] =	sst s2  }
0x20c: {  	s14 =	smul.u32 $0x14F8B589, s3;
	s3 =	rddreg [dreg:$0xd]  }
0x20d: {  	[smem:$0x792] =	sst s26;
	s2 =	sshra.s32 s3, $0x1F  }
0x20e: {  	s3 =	smul.u32 $0x14F8B589, s4;
	s4 =	sshra.s32 s15, $0x1F;
	[smem:$0x78E] =	sst s2  }
0x20f: {  	s2 =	sshra.s32 s8, $0x1F;
	[smem:$0x791] =	sst s4  }
0x210: {  	s29 =	smul.u32 $0x14F8B589, s29;
	s8 =	sshrl.u32 s30, $0x1F;
	[smem:$0x78F] =	sst s2  }
0x211: {  	s15 =	smulhi.u32 $0x14F8B589, s20;
	s26 =	sshrl.u32 s21, $0x1F;
	v11 =	vmov s8;
	s8 =	rddreg [dreg:$0x1a]  }
0x212: {  	s4 =	smul.u32 $0x14F8B589, s16;
	v8 =	vsel vm1, s26, v8;
	s26 =	rddreg [dreg:$0x1b]  }
0x213: {  	s2 =	sshra.s32 s10, $0x1F;
	s15 =	sadd.s32 s29, s15;
	s29 =	sld [smem:$0x782]  }
0x214: {  	s28 =	sshrl.u32 s13, $0x1F;
	[smem:$0x790] =	sst s2;
	s2 =	smul.u32 $0x14F8B589, s12  }
0x215: {  	s30 =	sshra.s32 s30, $0xD;
	s12 =	smulhi.u32 $0x14F8B589, s6;
	s6 =	rddreg [dreg:$0x19]  }
0x216: {  	s10 =	sshrl.u32 s11, $0x1F;
	s16 =	smulhi.u32 $0x14F8B589, s8;
	s8 =	sld [smem:$0x778]  }
0x217: {  	v13 =	vmov s30;
	s30 =	sshrl.u32 s5, $0x1F;
	s21 =	smulhi.u32 $0x14F8B589, s26;
	s26 =	sld [smem:$0x779]  }
0x218: {  	s11 =	sshra.s32 s11, $0xD;
	v15 =	vmov s30;
	s30 =	sshra.s32 s13, $0xD;
	s13 =	sld [smem:$0x77F]  }
0x219: {  	v14 =	vmov s11;
	s11 =	smulhi.u32 $0x14F8B589, s6;
	s6 =	sshra.s32 s7, $0x1F;
	s7 =	sld [smem:$0x77A]  }
0x21a: {  	s5 =	sshra.s32 s5, $0xD;
	v12 =	vmov s10;
	s10 =	sshra.s32 s23, $0x1F;
	v18 =	vmov s30;
	s30 =	sld [smem:$0x77B]  }
0x21b: {  	v6 =	vsel vm13, s6, v6;
	s6 =	sld [smem:$0x77C];
	s12 =	sadd.s32 s24, s12;
	s24 =	sadd.s32 s9, s21  }
0x21c: {  	s21 =	sadd.s32 s14, s16;
	s14 =	sshrl.u32 s15, $0x1F;
	s16 =	sld [smem:$0x784]  }
0x21d: {  	v5 =	vsel vm13, s10, v5;
	s10 =	sshrl.u32 s8, $0x1F;
	s20 =	smulhi.u32 $0x14F8B589, s26;
	s8 =	sshrl.u32 s1, $0x1F  }
0x21e: {  	s1 =	sshra.s32 s1, $0xD;
	v12 =	vsel vm0, s14, v12;
	s14 =	sshra.s32 s24, $0xD;
	s26 =	smulhi.u32 $0x14F8B589, s7  }
0x21f: {  	v16 =	vmov s28;
	v9 =	vsel vm1, s10, v9;
	s10 =	sshrl.u32 s0, $0x1F;
	s28 =	smulhi.u32 $0x14F8B589, s30;
	s7 =	sld [smem:$0x77D]  }
0x220: {  	v17 =	vmov s5;
	v19 =	vmov s8;
	s8 =	sshra.s32 s17, $0x1F;
	s17 =	sld [smem:$0x780];
	s5 =	sshrl.u32 s6, $0x1F  }
0x221: {  	s0 =	sshra.s32 s0, $0xD;
	v20 =	vmov s10;
	s10 =	sld [smem:$0x77E];
	v10 =	vsel vm1, s5, v10;
	s5 =	smul.u32 $0x14F8B589, s13  }
0x222: {  	s13 =	sadd.s32 s31, s20;
	s6 =	sadd.s32 s2, s28;
	s2 =	smul.u32 $0x14F8B589, s29  }
0x223: {  	s20 =	sld [smem:$0x781];
	s3 =	sadd.s32 s3, s26;
	s30 =	smulhi.u32 $0x14F8B589, s7  }
0x224: {  	v7 =	vsel vm13, s8, v7;
	s29 =	sld [smem:$0x786];
	s8 =	smul.u32 $0x14F8B589, s17;
	s17 =	sshra.s32 s12, $0xD  }
0x225: {  	v17 =	vsel vm0, s14, v17;
	s14 =	sshra.s32 s3, $0xD;
	s28 =	sshra.s32 s13, $0x1F;
	s7 =	smul.u32 $0x14F8B589, s10  }
0x226: {  	v21 =	vmov s1;
	s10 =	sadd.s32 s18, s11;
	s11 =	sld [smem:$0x783];
	s18 =	sshra.s32 s15, $0xD  }
0x227: {  	s15 =	smulhi.u32 $0x14F8B589, s22;
	s22 =	sld [smem:$0x785];
	v21 =	vsel vm0, s14, v21;
	s14 =	sshrl.u32 s23, $0x1F  }
0x228: {  	v22 =	vmov s0;
	s23 =	sld [smem:$0x793];
	s9 =	smul.u32 $0x14F8B589, s20;
	s0 =	sadd.s32 s4, s30  }
0x229: {  	s30 =	sshrl.u32 s12, $0x1F;
	s26 =	sshrl.u32 s10, $0x1F;
	s12 =	sld [smem:$0x787]  }
0x22a: {  	v14 =	vsel vm0, s18, v14;
	s18 =	sshrl.u32 s3, $0x1F;
	s3 =	smul.u32 $0x14F8B589, s25;
	s25 =	sld [smem:$0x78F]  }
0x22b: {  	s20 =	sshra.s32 s21, $0xD;
	v11 =	vsel vm0, s30, v11;
	s30 =	sshrl.u32 s29, $0x1F;
	v16 =	vsel vm0, s26, v16;
	s26 =	sld [smem:$0x78A]  }
0x22c: {  	v19 =	vsel vm0, s18, v19;
	s18 =	sld [smem:$0x78B];
	s1 =	smul.u32 $0x14F8B589, s11;
	s11 =	sshrl.u32 s16, $0x1F  }
0x22d: {  	s16 =	smulhi.u32 $0x14F8B589, s19;
	s19 =	sshrl.u32 s24, $0x1F;
	s24 =	sld [smem:$0x789]  }
0x22e: {  	v13 =	vsel vm0, s17, v13;
	s17 =	sshra.s32 s13, $0xD;
	v5 =	vsel vm5, s20, v5;
	s20 =	sshrl.u32 s6, $0x1F;
	v9 =	vsel vm2, s30, v9;
	s30 =	rddreg [dreg:$0x8]  }
0x22f: {  	s10 =	sshra.s32 s10, $0xD;
	v24 =	vsel vm5, s17, v6;
	s17 =	sshra.s32 s0, $0xD;
	v20 =	vsel vm0, s20, v20;
	s20 =	sld [smem:$0x78C]  }
0x230: {  	s6 =	sshra.s32 s6, $0xD;
	v25 =	vsel vm5, s17, v7;
	s17 =	sld [smem:$0x791];
	v23 =	vsel vm2, s11, v8;
	s11 =	smulhi.u32 $0x14F8B589, s22  }
0x231: {  	s15 =	sadd.s32 s5, s15;
	v15 =	vsel vm0, s19, v15;
	s12 =	smulhi.u32 $0x14F8B589, s12;
	s19 =	sld [smem:$0x788]  }
0x232: {  	s22 =	sld [smem:$0x78D];
	s29 =	sshrl.u32 s26, $0x1F;
	s4 =	smul.u32 $0x14F8B589, s18  }
0x233: {  	v18 =	vsel vm0, s10, v18;
	s26 =	sshra.s32 s30, $0x2;
	s18 =	sld [smem:$0x792];
	s10 =	smulhi.u32 $0x14F8B589, s24  }
0x234: {  	s30 =	sshra.s32 s21, $0x1F;
	s5 =	smul.u32 $0x14F8B589, s20;
	s24 =	sld [smem:$0x78E]  }
0x235: {  	v10 =	vsel vm2, s29, v10;
	s12 =	sadd.s32 s9, s12;
	s29 =	sld [smem:$0x790];
	s9 =	smul.u32 $0x14F8B589, s17  }
0x236: {  	s16 =	sadd.s32 s7, s16;
	v6 =	vld [tilespmem:s26+$0x0];
	v55 =	vsel vm14, s30, v5;
	s30 =	rddreg [dreg:$0xb];
	s19 =	smulhi.u32 $0x14F8B589, s19  }
0x237: {  	v22 =	vsel vm0, s6, v22;
	v8 =	vld [tilespmem:s26+$0x80];
	s11 =	sadd.s32 s8, s11;
	s17 =	rddreg [dreg:$0x9];
	s6 =	smul.u32 $0x14F8B589, s22  }
0x238: {  	v23 =	vsel vm4, s14, v23;
	s20 =	sshrl.u32 s16, $0x1F;
	s14 =	smulhi.u32 $0x14F8B589, s17;
	s17 =	rddreg [dreg:$0xa]  }
0x239: {  	s22 =	sshrl.u32 s15, $0x1F;
	s15 =	sshra.s32 s15, $0xD;
	s31 =	smulhi.u32 $0x14F8B589, s17  }
0x23a: {  	v26 =	vld [tilespmem:s26+$0x100];
	s16 =	sshra.s32 s16, $0xD;
	v11 =	vsel vm1, s20, v11;
	s20 =	rddreg [dreg:$0xd];
	v12 =	vsel vm1, s22, v12;
	v14 =	vsel vm1, s15, v14;
	s8 =	smul.u32 $0x14F8B589, s24  }
0x23b: {  	s2 =	sadd.s32 s2, s19;
	s19 =	sadd.s32 s1, s10;
	s10 =	smul.u32 $0x14F8B589, s25;
	v7 =	vmul.u32 $0x3E, v6;
	v27 =	vmul.u32 $0xC2, v6;
	v28 =	vmul.u32 $0x33, v6  }
0x23c: {  	s22 =	rddreg [dreg:$0xf];
	s15 =	sshrl.u32 s13, $0x1F;
	s7 =	smul.u32 $0x14F8B589, s29;
	v29 =	vmul.u32 $0x22, v8;
	v30 =	vmul.u32 $0x6A, v8;
	v31 =	vmul.u32 $0x9F, v6  }
0x23d: {  	s24 =	sshrl.u32 s11, $0x1F;
	s25 =	sshrl.u32 s12, $0x1F;
	s1 =	smul.u32 $0x14F8B589, s18;
	v6 =	vxor.u32 v7, v8;
	v7 =	vxor.u32 v27, v8  }
0x23e: {  	s18 =	sshrl.u32 s23, $0x1F;
	s11 =	sshra.s32 s11, $0xD;
	s29 =	rddreg [dreg:$0xc];
	v5 =	vxor.u32 v28, v29;
	v56 =	vxor.u32 v31, v30;
	(v2sf) =	vpush v6, $0x7  }
0x23f: {  	s12 =	sshra.s32 s12, $0xD;
	s5 =	sadd.s32 s5, s14;
	s23 =	smulhi.u32 $0x14F8B589, s29;
	v8 =	vxor.u32 v26, v5;
	v5 =	vxor.u32 v26, v56;
	(v2sf) =	vpush v7, $0x7  }
0x240: {  	v24 =	vsel vm14, s28, v24;
	s29 =	smulhi.u32 $0x14F8B589, s30;
	s28 =	sshrl.u32 s2, $0x1F;
	s30 =	sshrl.u32 s19, $0x1F;
	(v2sf) =	vpush v5, $0xF  }
0x241: {  	v13 =	vsel vm1, s16, v13;
	v9 =	vsel vm4, s18, v9;
	s18 =	sld [smem:$0x794];
	s2 =	sshra.s32 s2, $0xD;
	s16 =	sadd.s32 s6, s31;
	(v2sf) =	vpush v5, $0xB  }
0x242: {  	v15 =	vsel vm1, s24, v15;
	s24 =	rddreg [dreg:$0x10];
	s14 =	sshra.s32 s5, $0xD;
	s13 =	sshra.s32 s5, $0x1F  }
0x243: {  	s3 =	sadd.s32 s3, s23;
	s4 =	sadd.s32 s4, s29;
	s29 =	smulhi.u32 $0x14F8B589, s24;
	(v2sf) =	vpush v5, $0x6  }
0x244: {  	s23 =	sshrl.u32 s21, $0x1F;
	s17 =	sshrl.u32 s18, $0x1F;
	s18 =	smulhi.u32 $0x14F8B589, s20;
	(v2sf) =	vpush v5, $0xE  }
0x245: {  	v16 =	vsel vm1, s25, v16;
	v17 =	vsel vm1, s11, v17;
	s20 =	smulhi.u32 $0x14F8B589, s22;
	s22 =	sshrl.u32 s4, $0x1F;
	s24 =	sshra.s32 s3, $0xD;
	(v2sf) =	vpush v5, $0xA  }
0x246: {  	v57 =	vsel vm1, s12, v18;
	s25 =	sshra.s32 s4, $0xD;
	v10 =	vsel vm4, s17, v10;
	s17 =	sshra.s32 s19, $0xD;
	s19 =	sshra.s32 s0, $0x1F;
	(v2sf) =	vpush v5, $0xD  }
0x247: {  	v58 =	vsel vm1, s28, v19;
	v20 =	vsel vm1, s30, v20;
	s7 =	sadd.s32 s7, s29;
	s29 =	sshrl.u32 s16, $0x1F;
	s0 =	sshrl.u32 s0, $0x1F;
	(v2sf) =	vpush v5, $0x9  }
0x248: {  	v21 =	vsel vm1, s2, v21;
	v61 =	vsel vm5, s15, v9;
	s8 =	sadd.s32 s8, s18;
	s6 =	sadd.s32 s10, s20;
	s18 =	rddreg [dreg:$0x16];
	(v2sf) =	vpush v5, $0x5  }
0x249: {  	v25 =	vsel vm14, s19, v25;
	s19 =	rddreg [dreg:$0x14];
	s20 =	sshrl.u32 s3, $0x1F;
	v22 =	vsel vm1, s17, v22;
	s17 =	sshra.s32 s16, $0xD;
	(v2sf) =	vpush v5, $0xC  }
0x24a: {  	v59 =	vsel vm2, s22, v12;
	v32 =	vsel vm2, s29, v15;
	s22 =	sshra.s32 s7, $0xD;
	s29 =	sshrl.u32 s5, $0x1F;
	s10 =	smulhi.u32 $0x14F8B589, s18;
	(v2sf) =	vpush v5, $0x8  }
0x24b: {  	v23 =	vsel vm5, s23, v23;
	v60 =	vsel vm2, s24, v13;
	s11 =	smulhi.u32 $0x14F8B589, s19;
	s30 =	sshrl.u32 s8, $0x1F;
	s8 =	sshra.s32 s8, $0xD;
	(v2sf) =	vpush v5, $0x4  }
0x24c: {  	v13 =	vsel vm6, s14, v55;
	s18 =	sshra.s32 s6, $0xD;
	s19 =	sshrl.u32 s7, $0x1F;
	v33 =	vsel vm2, s17, v17;
	s17 =	rddreg [dreg:$0x8];
	(v2sf) =	vpush v5, $0x3  }
0x24d: {  	v15 =	vsel vm2, s22, v21;
	v21 =	vsel vm6, s29, v23;
	s29 =	sshrl.u32 s6, $0x1F;
	s10 =	sadd.s32 s9, s10;
	(v2sf) =	vpush v5, $0x2;
	s24 =	spop (v2sf)  }
0x24e: {  	v62 =	vsel vm2, s25, v14;
	v16 =	vsel vm2, s30, v16;
	(v2sf) =	vpush v5, $0x1;
	s30 =	smulhi.u32 $0x14F8B589, s24;
	s3 =	sshra.s32 s24, $0x1F;
	s15 =	spop (v2sf)  }
0x24f: {  	v18 =	vsel vm5, s0, v10;
	v11 =	vsel vm2, s20, v11;
	s9 =	sadd.s32 s1, s11;
	(v2sf) =	vpush v5, $0x0;
	s11 =	smul.u32 $0x14F8B589, s3;
	s3 =	spop (v2sf)  }
0x250: {  	v24 =	vsel vm6, s18, v24;
	v63 =	vsel vm2, s8, v57;
	s1 =	sadd.s32 $0x40, s17;
	(v2sf) =	vpush v5, $0x7;
	s21 =	smulhi.u32 $0x14F8B589, s3;
	s4 =	spop (v2sf)  }
0x251: {  	v12 =	vsel vm2, s19, v58;
	v10 =	vcombine.low v16, v32;
	s20 =	sshrl.u32 s10, $0x1F;
	s25 =	sshra.s32 s9, $0xD;
	(v2sf) =	vpush v8, $0x7;
	s22 =	smulhi.u32 $0x14F8B589, s4  }
.Ltmp0:
0x252: {  	v16 =	vcombine.low v63, v33;
	s23 =	sshra.s32 s10, $0xD;
	v19 =	vsel vm6, s25, v25;
	(v2sf) =	vpush v8, $0x0;
	s10 =	spop (v2sf);
	(pc) =	sbr.rel @p0 .LBB2_3-.Ltmp0, $4  }
0x253: {  	v14 =	vsel vm2, s20, v20;
	v17 =	vsel vm2, s23, v22;
	s31 =	sadd.s32 s11, s30;
	s19 =	smulhi.u32 $0x14F8B589, s10;
	(v2sf) =	vpush v6, $0x0;
	s11 =	spop (v2sf)  }
0x254: {  	v20 =	vsel vm15, s13, v13;
	v13 =	vcombine.low v59, v11;
	s30 =	sshra.s32 s6, $0x1F;
	s23 =	smulhi.u32 $0x14F8B589, s11;
	(v2sf) =	vpush v7, $0x0;
	s18 =	spop (v2sf)  }
0x255: {  	v11 =	vcombine.low v62, v60;
	v22 =	vsel vm6, s29, v61;
	s0 =	sshra.s32 s31, $0x1F;
	s24 =	smulhi.u32 $0x14F8B589, s18;
	(v2sf) =	vpush v8, $0x1;
	s20 =	spop (v2sf)  }
0x256: {  	s16 =	sshra.s32 s15, $0x1F;
	v23 =	vsel vm15, s30, v24;
	v9 =	vmov s0;
	s25 =	smulhi.u32 $0x14F8B589, s20;
	(v2sf) =	vpush v6, $0x1;
	s28 =	spop (v2sf)  }
0x257: {  	s0 =	smulhi.u32 $0x14F8B589, s28;
	s30 =	spop (v2sf)  }
0x258: {  	s6 =	sshra.s32 s4, $0x1F;
	s1 =	smulhi.u32 $0x14F8B589, s30  }
0x259: {  	s7 =	sshra.s32 s10, $0x1F;
	s2 =	smul.u32 $0x14F8B589, s6  }
0x25a: {  	s8 =	sshra.s32 s11, $0x1F;
	s29 =	smul.u32 $0x14F8B589, s7  }
0x25b: {  	s12 =	sshra.s32 s20, $0x1F;
	s10 =	smul.u32 $0x14F8B589, s8  }
0x25c: {  	s13 =	sshra.s32 s28, $0x1F;
	s8 =	smul.u32 $0x14F8B589, s12  }
0x25d: {  	s5 =	sshra.s32 s3, $0x1F;
	s3 =	smul.u32 $0x14F8B589, s13;
	s14 =	spop (v2sf)  }
0x25e: {  	[smem:$0x6D8] =	sst s0;
	s4 =	smulhi.u32 $0x14F8B589, s14  }
0x25f: {  	s0 =	sshra.s32 s30, $0x1F;
	[smem:$0x6DA] =	sst s1;
	s1 =	smul.u32 $0x14F8B589, s5  }
0x260: {  	s17 =	spop (v2sf);
	s5 =	smul.u32 $0x14F8B589, s0  }
0x261: {  	[smem:$0x6D9] =	sst s3;
	s3 =	sshra.s32 s14, $0x1F;
	s7 =	smulhi.u32 $0x14F8B589, s17  }
0x262: {  	s6 =	spop (v2sf);
	s0 =	smul.u32 $0x14F8B589, s3  }
0x263: {  	[smem:$0x6D7] =	sst s10;
	s2 =	sadd.s32 s2, s22;
	s28 =	smulhi.u32 $0x14F8B589, s6  }
0x264: {  	s11 =	sshra.s32 s18, $0x1F;
	s18 =	spop (v2sf);
	[smem:$0x72A] =	sst s2  }
0x265: {  	s6 =	sshra.s32 s6, $0x1F;
	[smem:$0x6D6] =	sst s1;
	s1 =	smul.u32 $0x14F8B589, s11  }
0x266: {  	s22 =	sld [smem:$0x6D7];
	s6 =	smul.u32 $0x14F8B589, s6  }
0x267: {  	s3 =	sshra.s32 s17, $0x1F;
	s20 =	smulhi.u32 $0x14F8B589, s18;
	s30 =	spop (v2sf)  }
0x268: {  	s12 =	smulhi.u32 $0x14F8B589, s30;
	s10 =	sshra.s32 s30, $0x1F;
	s14 =	spop (v2sf)  }
0x269: {  	s0 =	sadd.s32 s0, s4;
	[smem:$0x6DB] =	sst s6;
	s13 =	smul.u32 $0x14F8B589, s10  }
0x26a: {  	s6 =	sshra.s32 s18, $0x1F;
	s17 =	smulhi.u32 $0x14F8B589, s14;
	[smem:$0x71F] =	sst s0  }
0x26b: {  	s18 =	spop (v2sf);
	s1 =	sadd.s32 s1, s24;
	s24 =	sld [smem:$0x6D8]  }
0x26c: {  	[smem:$0x6E0] =	sst s12;
	s6 =	smul.u32 $0x14F8B589, s6  }
0x26d: {  	s2 =	sadd.s32 s22, s23;
	s30 =	smulhi.u32 $0x14F8B589, s18;
	s11 =	spop (v2sf)  }
0x26e: {  	s10 =	sshra.s32 s18, $0x1F;
	s18 =	smulhi.u32 $0x14F8B589, s15;
	[smem:$0x725] =	sst s2  }
0x26f: {  	[smem:$0x6E1] =	sst s13;
	s10 =	smul.u32 $0x14F8B589, s10  }
0x270: {  	[smem:$0x6E2] =	sst s17;
	s12 =	smulhi.u32 $0x14F8B589, s11  }
0x271: {  	s13 =	spop (v2sf);
	[smem:$0x6E4] =	sst s6  }
0x272: {  	s6 =	sshra.s32 s14, $0x1F;
	[smem:$0x6DE] =	sst s30;
	s14 =	smul.u32 $0x14F8B589, s16  }
0x273: {  	(v2sf) =	vpush v7, $0x1;
	s17 =	spop (v2sf);
	[smem:$0x6E8] =	sst s18  }
0x274: {  	s16 =	sshra.s32 s13, $0x1F;
	s6 =	smul.u32 $0x14F8B589, s6;
	[smem:$0x6DF] =	sst s10  }
0x275: {  	[smem:$0x6DC] =	sst s12;
	s10 =	smul.u32 $0x14F8B589, s16  }
0x276: {  	s30 =	spop (v2sf);
	[smem:$0x6E7] =	sst s14  }
0x277: {  	(v2sf) =	vpush v8, $0x2;
	s12 =	sshra.s32 s17, $0x1F;
	s15 =	smulhi.u32 $0x14F8B589, s30;
	[smem:$0x6E3] =	sst s6  }
0x278: {  	(v2sf) =	vpush v6, $0x2;
	s6 =	sshra.s32 s11, $0x1F;
	[smem:$0x6E5] =	sst s10;
	s11 =	smul.u32 $0x14F8B589, s12  }
0x279: {  	(v2sf) =	vpush v7, $0x2;
	s6 =	smul.u32 $0x14F8B589, s6;
	[smem:$0x6EB] =	sst s15  }
0x27a: {  	(v2sf) =	vpush v8, $0x3;
	s18 =	smulhi.u32 $0x14F8B589, s17;
	s12 =	sshra.s32 s30, $0x1F;
	[smem:$0x6E9] =	sst s11  }
0x27b: {  	s12 =	smul.u32 $0x14F8B589, s12;
	[smem:$0x6DD] =	sst s6  }
0x27c: {  	s6 =	smulhi.u32 $0x14F8B589, s13;
	s13 =	spop (v2sf)  }
0x27d: {  	s14 =	sshra.s32 s13, $0x1F;
	s10 =	spop (v2sf);
	s30 =	smulhi.u32 $0x14F8B589, s13  }
0x27e: {  	[smem:$0x6EA] =	sst s12;
	s12 =	smul.u32 $0x14F8B589, s14;
	s16 =	sshra.s32 s10, $0x1F  }
0x27f: {  	(v2sf) =	vpush v6, $0x3;
	[smem:$0x6E6] =	sst s6;
	s17 =	smul.u32 $0x14F8B589, s16  }
0x280: {  	[smem:$0x6EC] =	sst s12;
	s12 =	spop (v2sf)  }
0x281: {  	(v2sf) =	vpush v7, $0x3;
	[smem:$0x6ED] =	sst s17;
	s6 =	sshra.s32 s12, $0x1F;
	s16 =	smulhi.u32 $0x14F8B589, s12  }
0x282: {  	s13 =	spop (v2sf);
	s11 =	smul.u32 $0x14F8B589, s6  }
0x283: {  	s14 =	sshra.s32 s13, $0x1F;
	s17 =	smulhi.u32 $0x14F8B589, s13;
	[smem:$0x6EF] =	sst s16  }
0x284: {  	s15 =	smul.u32 $0x14F8B589, s14;
	[smem:$0x6EE] =	sst s11  }
0x285: {  	s11 =	smulhi.u32 $0x14F8B589, s10;
	[smem:$0x6F1] =	sst s17  }
0x286: {  	(v2sf) =	vpush v8, $0x4;
	s10 =	spop (v2sf);
	[smem:$0x6F0] =	sst s15  }
0x287: {  	s12 =	spop (v2sf);
	s6 =	sshra.s32 s10, $0x1F;
	s10 =	smulhi.u32 $0x14F8B589, s10  }
0x288: {  	(v2sf) =	vpush v6, $0x4;
	s14 =	smul.u32 $0x14F8B589, s6;
	s13 =	spop (v2sf)  }
0x289: {  	s16 =	sshra.s32 s13, $0x1F;
	[smem:$0x6F5] =	sst s10;
	s10 =	spop (v2sf)  }
0x28a: {  	(v2sf) =	vpush v7, $0x4;
	[smem:$0x6F4] =	sst s14;
	s17 =	smul.u32 $0x14F8B589, s16  }
0x28b: {  	(v2sf) =	vpush v8, $0xC;
	s14 =	sshra.s32 s12, $0x1F;
	s16 =	sshra.s32 s10, $0x1F;
	s10 =	smulhi.u32 $0x14F8B589, s10  }
0x28c: {  	s15 =	smul.u32 $0x14F8B589, s14;
	[smem:$0x6F6] =	sst s17  }
0x28d: {  	(v2sf) =	vpush v8, $0x8;
	s14 =	smulhi.u32 $0x14F8B589, s12;
	[smem:$0x6F9] =	sst s10  }
0x28e: {  	s12 =	spop (v2sf);
	[smem:$0x6F2] =	sst s15  }
0x28f: {  	(v2sf) =	vpush v6, $0xC;
	s17 =	smul.u32 $0x14F8B589, s16;
	[smem:$0x6F3] =	sst s14  }
0x290: {  	(v2sf) =	vpush v6, $0x8;
	s15 =	smulhi.u32 $0x14F8B589, s13;
	s13 =	spop (v2sf)  }
0x291: {  	s6 =	sshra.s32 s12, $0x1F;
	s14 =	smulhi.u32 $0x14F8B589, s12;
	[smem:$0x6F8] =	sst s17  }
0x292: {  	[smem:$0x6F7] =	sst s15;
	s15 =	smul.u32 $0x14F8B589, s6  }
0x293: {  	s16 =	sshra.s32 s13, $0x1F;
	[smem:$0x6FB] =	sst s14  }
0x294: {  	(v2sf) =	vpush v7, $0xC;
	s17 =	smul.u32 $0x14F8B589, s16;
	[smem:$0x6FA] =	sst s15  }
0x295: {  	s15 =	smulhi.u32 $0x14F8B589, s13;
	s10 =	spop (v2sf)  }
0x296: {  	(v2sf) =	vpush v7, $0x8;
	[smem:$0x6FC] =	sst s17;
	s16 =	sshra.s32 s10, $0x1F;
	s10 =	smulhi.u32 $0x14F8B589, s10  }
0x297: {  	s12 =	spop (v2sf);
	s17 =	smul.u32 $0x14F8B589, s16  }
0x298: {  	[smem:$0x6FD] =	sst s15;
	s6 =	sshra.s32 s12, $0x1F;
	s14 =	smulhi.u32 $0x14F8B589, s12  }
0x299: {  	s13 =	spop (v2sf);
	s15 =	smul.u32 $0x14F8B589, s6  }
0x29a: {  	s16 =	sshra.s32 s13, $0x1F;
	[smem:$0x701] =	sst s10;
	s10 =	spop (v2sf)  }
0x29b: {  	[smem:$0x700] =	sst s17;
	s17 =	smul.u32 $0x14F8B589, s16  }
0x29c: {  	[smem:$0x6FF] =	sst s14;
	s12 =	spop (v2sf)  }
0x29d: {  	(v2sf) =	vpush v8, $0xD;
	[smem:$0x6FE] =	sst s15;
	s15 =	smulhi.u32 $0x14F8B589, s13  }
0x29e: {  	s16 =	sshra.s32 s10, $0x1F;
	s13 =	spop (v2sf);
	[smem:$0x702] =	sst s17  }
0x29f: {  	s6 =	sshra.s32 s12, $0x1F;
	s17 =	smul.u32 $0x14F8B589, s16;
	s14 =	spop (v2sf)  }
0x2a0: {  	(v2sf) =	vpush v8, $0x9;
	s16 =	sshra.s32 s13, $0x1F;
	[smem:$0x703] =	sst s15;
	s15 =	smul.u32 $0x14F8B589, s6  }
0x2a1: {  	s6 =	sshra.s32 s14, $0x1F;
	[smem:$0x704] =	sst s17;
	s17 =	smul.u32 $0x14F8B589, s16  }
0x2a2: {  	s16 =	smul.u32 $0x14F8B589, s6;
	[smem:$0x707] =	sst s15  }
0x2a3: {  	s15 =	spop (v2sf);
	[smem:$0x706] =	sst s17  }
0x2a4: {  	(v2sf) =	vpush v8, $0x5;
	[smem:$0x708] =	sst s16;
	s17 =	sshra.s32 s15, $0x1F  }
0x2a5: {  	(v2sf) =	vpush v6, $0xD;
	s16 =	spop (v2sf);
	s17 =	smul.u32 $0x14F8B589, s17  }
0x2a6: {  	[smem:$0x726] =	sst s1;
	(v2sf) =	vpush v6, $0x9;
	s6 =	sshra.s32 s16, $0x1F  }
0x2a7: {  	(v2sf) =	vpush v6, $0x5;
	[smem:$0x709] =	sst s17;
	s17 =	smul.u32 $0x14F8B589, s6  }
0x2a8: {  	s3 =	smul.u32 $0x14F8B589, s3;
	s2 =	sld [smem:$0x6DA]  }
0x2a9: {  	[smem:$0x70A] =	sst s17  }
0x2aa: {  	s3 =	sadd.s32 s3, s7;
	s4 =	smulhi.u32 $0x14F8B589, s16;
	s17 =	sld [smem:$0x6D6]  }
0x2ab: {  	[smem:$0x720] =	sst s3;
	s23 =	smulhi.u32 $0x14F8B589, s13  }
0x2ac: {  	[smem:$0x70B] =	sst s4;
	s1 =	spop (v2sf)  }
0x2ad: {  	s6 =	sadd.s32 s17, s21;
	s21 =	sadd.s32 s8, s25;
	s25 =	sld [smem:$0x6D9]  }
0x2ae: {  	s17 =	smulhi.u32 $0x14F8B589, s10;
	[smem:$0x728] =	sst s6  }
0x2af: {  	(v2sf) =	vpush v7, $0xD;
	s13 =	spop (v2sf);
	[smem:$0x722] =	sst s21  }
0x2b0: {  	s6 =	sshra.s32 s13, $0x1F;
	[smem:$0x705] =	sst s17;
	s0 =	sadd.s32 s25, s24  }
0x2b1: {  	s24 =	smulhi.u32 $0x14F8B589, s14;
	[smem:$0x723] =	sst s0;
	s0 =	sadd.s32 s5, s2  }
0x2b2: {  	s5 =	sshra.s32 s1, $0x1F;
	[smem:$0x72B] =	sst s0;
	s0 =	smul.u32 $0x14F8B589, s6  }
0x2b3: {  	(v2sf) =	vpush v7, $0x9;
	s14 =	spop (v2sf);
	s21 =	smul.u32 $0x14F8B589, s5  }
0x2b4: {  	(v2sf) =	vpush v7, $0x5;
	s7 =	sshra.s32 s14, $0x1F;
	s5 =	spop (v2sf);
	[smem:$0x70D] =	sst s0  }
0x2b5: {  	s0 =	smul.u32 $0x14F8B589, s7;
	s7 =	spop (v2sf)  }
0x2b6: {  	s1 =	smulhi.u32 $0x14F8B589, s1;
	s8 =	sshra.s32 s5, $0x1F;
	s6 =	spop (v2sf)  }
0x2b7: {  	[smem:$0x711] =	sst s0;
	s0 =	smul.u32 $0x14F8B589, s8  }
0x2b8: {  	s25 =	smulhi.u32 $0x14F8B589, s15;
	[smem:$0x70C] =	sst s1;
	s15 =	sshra.s32 s6, $0x1F  }
0x2b9: {  	s10 =	sshra.s32 s7, $0x1F;
	s16 =	smul.u32 $0x14F8B589, s15;
	[smem:$0x70F] =	sst s0  }
0x2ba: {  	s0 =	smul.u32 $0x14F8B589, s10;
	s10 =	sld [smem:$0x6DB]  }
0x2bb: {  	[smem:$0x715] =	sst s16  }
0x2bc: {  	s16 =	sld [smem:$0x6DC]  }
0x2bd: {  	[smem:$0x713] =	sst s0  }
0x2be: {  	s0 =	spop (v2sf);
	s8 =	sadd.s32 s10, s28;
	s28 =	sld [smem:$0x6DF]  }
0x2bf: {  	s17 =	sshra.s32 s0, $0x1F;
	s0 =	smulhi.u32 $0x14F8B589, s0;
	[smem:$0x729] =	sst s8  }
0x2c0: {  	s3 =	smul.u32 $0x14F8B589, s17;
	s17 =	sld [smem:$0x6DD]  }
0x2c1: {  	s8 =	sld [smem:$0x6EA]  }
0x2c2: {  	s2 =	spop (v2sf);
	[smem:$0x718] =	sst s0  }
0x2c3: {  	s4 =	spop (v2sf);
	s22 =	sshra.s32 s2, $0x1F;
	[smem:$0x717] =	sst s3  }
0x2c4: {  	s15 =	sshra.s32 s4, $0x1F;
	s3 =	smul.u32 $0x14F8B589, s22;
	s22 =	sld [smem:$0x6DE]  }
0x2c5: {  	s10 =	smul.u32 $0x14F8B589, s15;
	s15 =	sld [smem:$0x6E0]  }
0x2c6: {  	[smem:$0x719] =	sst s3  }
0x2c7: {  	[smem:$0x71B] =	sst s10  }
0x2c8: {  	s3 =	sadd.s32 s17, s16;
	s16 =	sld [smem:$0x6E1]  }
0x2c9: {  	s10 =	sld [smem:$0x6E4]  }
0x2ca: {  	[smem:$0x71E] =	sst s3  }
0x2cb: {  	s17 =	sadd.s32 s28, s22;
	s22 =	sld [smem:$0x6E2]  }
0x2cc: {  	s28 =	sld [smem:$0x6E3]  }
0x2cd: {  	s3 =	sadd.s32 s16, s15;
	s15 =	sadd.s32 s29, s19;
	s19 =	sld [smem:$0x6E5]  }
0x2ce: {  	s1 =	sadd.s32 s10, s20;
	s20 =	sld [smem:$0x6E6]  }
0x2cf: {  	s16 =	smulhi.u32 $0x14F8B589, s13;
	s10 =	sld [smem:$0x6EB]  }
0x2d0: {  	s29 =	smulhi.u32 $0x14F8B589, s14;
	s14 =	sld [smem:$0x6EC]  }
0x2d1: {  	s13 =	smulhi.u32 $0x14F8B589, s5;
	s5 =	sld [smem:$0x6F5]  }
0x2d2: {  	[smem:$0x724] =	sst s3  }
0x2d3: {  	[smem:$0x727] =	sst s1  }
0x2d4: {  	[smem:$0x72C] =	sst s15  }
0x2d5: {  	s3 =	sadd.s32 s28, s22;
	s22 =	sld [smem:$0x6E7]  }
0x2d6: {  	s28 =	sld [smem:$0x6E8]  }
0x2d7: {  	s15 =	sld [smem:$0x6ED]  }
0x2d8: {  	[smem:$0x721] =	sst s3  }
0x2d9: {  	[smem:$0x70E] =	sst s16  }
0x2da: {  	[smem:$0x712] =	sst s29  }
0x2db: {  	s3 =	sld [smem:$0x6E9]  }
0x2dc: {  	[smem:$0x710] =	sst s13  }
0x2dd: {  	s29 =	sld [smem:$0x6F2]  }
0x2de: {  	s16 =	smulhi.u32 $0x14F8B589, s7;
	s7 =	sld [smem:$0x6F7]  }
0x2df: {  	s1 =	sadd.s32 s19, s20;
	s19 =	sld [smem:$0x6EF]  }
0x2e0: {  	s20 =	sld [smem:$0x6F0]  }
0x2e1: {  	[smem:$0x72E] =	sst s1  }
0x2e2: {  	[smem:$0x714] =	sst s16  }
0x2e3: {  	s1 =	sadd.s32 s22, s28;
	s22 =	sld [smem:$0x6F1]  }
0x2e4: {  	s28 =	smulhi.u32 $0x14F8B589, s6;
	s6 =	sld [smem:$0x6F6]  }
0x2e5: {  	[smem:$0x730] =	sst s1  }
0x2e6: {  	s1 =	sadd.s32 s3, s18;
	s18 =	sld [smem:$0x6EE]  }
0x2e7: {  	s3 =	sld [smem:$0x6F4]  }
0x2e8: {  	[smem:$0x72D] =	sst s1  }
0x2e9: {  	[smem:$0x716] =	sst s28  }
0x2ea: {  	s1 =	sadd.s32 s8, s10;
	s28 =	sld [smem:$0x6F9]  }
0x2eb: {  	(v2sf) =	vpush v8, $0xE;
	[smem:$0x72F] =	sst s1  }
0x2ec: {  	(v2sf) =	vpush v8, $0xA;
	s1 =	sadd.s32 s14, s30;
	s30 =	sld [smem:$0x6F3]  }
0x2ed: {  	s8 =	smulhi.u32 $0x14F8B589, s2;
	s0 =	sadd.s32 s6, s7;
	[smem:$0x731] =	sst s1  }
0x2ee: {  	s10 =	smulhi.u32 $0x14F8B589, s4;
	[smem:$0x737] =	sst s0  }
0x2ef: {  	(v2sf) =	vpush v6, $0xE;
	[smem:$0x71A] =	sst s8  }
0x2f0: {  	(v2sf) =	vpush v6, $0xA;
	[smem:$0x71C] =	sst s10  }
0x2f1: {  	s10 =	sld [smem:$0x6FA]  }
0x2f2: {  	(v2sf) =	vpush v7, $0xE;
	s1 =	sadd.s32 s15, s11;
	s8 =	sld [smem:$0x703]  }
0x2f3: {  	(v2sf) =	vpush v7, $0xA;
	[smem:$0x732] =	sst s1;
	s1 =	sadd.s32 s18, s19  }
0x2f4: {  	[smem:$0x733] =	sst s1  }
0x2f5: {  	s1 =	sadd.s32 s20, s22;
	s22 =	sld [smem:$0x6F8]  }
0x2f6: {  	[smem:$0x734] =	sst s1;
	s1 =	sadd.s32 s29, s30  }
0x2f7: {  	[smem:$0x736] =	sst s1;
	s1 =	sadd.s32 s3, s5  }
0x2f8: {  	[smem:$0x735] =	sst s1  }
0x2f9: {  	s7 =	sadd.s32 s22, s28;
	s22 =	sld [smem:$0x6FF]  }
0x2fa: {  	s5 =	spop (v2sf);
	s28 =	sld [smem:$0x700]  }
0x2fb: {  	s6 =	spop (v2sf);
	s11 =	sshra.s32 s5, $0x1F;
	[smem:$0x739] =	sst s7  }
0x2fc: {  	s13 =	smul.u32 $0x14F8B589, s11;
	s14 =	sshra.s32 s6, $0x1F;
	s11 =	sld [smem:$0x6FB]  }
0x2fd: {  	s20 =	smul.u32 $0x14F8B589, s14;
	s14 =	sld [smem:$0x6FD]  }
0x2fe: {  	s4 =	spop (v2sf);
	[smem:$0x71D] =	sst s13  }
0x2ff: {  	s3 =	spop (v2sf);
	s15 =	sshra.s32 s4, $0x1F;
	s13 =	sld [smem:$0x6FC]  }
0x300: {  	s19 =	smul.u32 $0x14F8B589, s15;
	s15 =	sld [smem:$0x6FE]  }
0x301: {  	s2 =	spop (v2sf);
	s7 =	sadd.s32 s10, s11;
	s10 =	sld [smem:$0x704]  }
0x302: {  	(v2sf) =	vpush v8, $0xF;
	s16 =	sshra.s32 s3, $0x1F;
	s1 =	spop (v2sf);
	s11 =	sld [smem:$0x705]  }
0x303: {  	s30 =	smul.u32 $0x14F8B589, s16;
	s29 =	sshra.s32 s1, $0x1F;
	[smem:$0x73A] =	sst s7  }
0x304: {  	(v2sf) =	vpush v8, $0xB;
	s16 =	smul.u32 $0x14F8B589, s29;
	s29 =	sld [smem:$0x701]  }
0x305: {  	s7 =	sadd.s32 s13, s14;
	s13 =	sld [smem:$0x706]  }
0x306: {  	s0 =	sadd.s32 s15, s22;
	s22 =	sld [smem:$0x707]  }
0x307: {  	(v2sf) =	vpush v8, $0x6;
	[smem:$0x73B] =	sst s7  }
0x308: {  	(v2sf) =	vpush v6, $0xF;
	[smem:$0x740] =	sst s0  }
0x309: {  	(v2sf) =	vpush v6, $0xB;
	s7 =	sld [smem:$0x702]  }
0x30a: {  	s0 =	sadd.s32 s28, s29;
	s28 =	sld [smem:$0x70A]  }
0x30b: {  	s29 =	sld [smem:$0x70B]  }
0x30c: {  	[smem:$0x73E] =	sst s0;
	s0 =	sadd.s32 s7, s8  }
0x30d: {  	[smem:$0x741] =	sst s0;
	s0 =	sadd.s32 s10, s11  }
0x30e: {  	s12 =	smulhi.u32 $0x14F8B589, s12;
	[smem:$0x738] =	sst s0  }
0x30f: {  	s0 =	sadd.s32 s13, s23;
	s23 =	sld [smem:$0x708]  }
0x310: {  	s11 =	smulhi.u32 $0x14F8B589, s2;
	[smem:$0x73D] =	sst s0;
	s0 =	sadd.s32 s22, s12  }
0x311: {  	s18 =	sshra.s32 s2, $0x1F;
	s2 =	spop (v2sf);
	[smem:$0x73C] =	sst s0  }
0x312: {  	s10 =	smulhi.u32 $0x14F8B589, s1;
	s0 =	sadd.s32 s23, s24;
	s24 =	sld [smem:$0x709]  }
0x313: {  	s13 =	smulhi.u32 $0x14F8B589, s4;
	s1 =	spop (v2sf)  }
0x314: {  	s12 =	smulhi.u32 $0x14F8B589, s3;
	s22 =	sld [smem:$0x70C]  }
0x315: {  	s3 =	sshra.s32 s2, $0x1F;
	[smem:$0x73F] =	sst s0;
	s0 =	sadd.s32 s24, s25  }
0x316: {  	s7 =	spop (v2sf);
	s4 =	sshra.s32 s1, $0x1F;
	[smem:$0x742] =	sst s0  }
0x317: {  	s0 =	sadd.s32 s28, s29;
	s29 =	smul.u32 $0x14F8B589, s3;
	s3 =	spop (v2sf)  }
0x318: {  	s25 =	smul.u32 $0x14F8B589, s4;
	s4 =	spop (v2sf)  }
0x319: {  	s8 =	sshra.s32 s4, $0x1F  }
0x31a: {  	s24 =	smul.u32 $0x14F8B589, s8;
	s8 =	sadd.s32 s21, s22;
	s21 =	sld [smem:$0x70D]  }
0x31b: {  	s22 =	sld [smem:$0x70E];
	_ =	sdelay $0x2  }
0x31c: {  	s21 =	sadd.s32 s21, s22;
	s22 =	sld [smem:$0x710]  }
0x31d: {  	s14 =	smulhi.u32 $0x14F8B589, s6;
	[smem:$0x745] =	sst s21  }
0x31e: {  	s21 =	sld [smem:$0x70F]  }
0x31f: {  	s14 =	sadd.s32 s20, s14;
	s20 =	sld [smem:$0x71F]  }
0x320: {  	[smem:$0x74D] =	sst s14  }
0x321: {  	s21 =	sadd.s32 s21, s22;
	s22 =	sld [smem:$0x712]  }
0x322: {  	[smem:$0x746] =	sst s21  }
0x323: {  	s21 =	sld [smem:$0x711]  }
0x324: {  	s14 =	rddreg [dreg:$0x4];
	s10 =	sadd.s32 s16, s10  }
0x325: {  	[smem:$0x751] =	sst s10  }
0x326: {  	s21 =	sadd.s32 s21, s22;
	s22 =	sld [smem:$0x714]  }
0x327: {  	[smem:$0x74A] =	sst s21  }
0x328: {  	s21 =	sld [smem:$0x713]  }
0x329: {  	s13 =	sadd.s32 s19, s13;
	s10 =	rddreg [dreg:$0x5]  }
0x32a: {  	(v2sf) =	vpush v6, $0x6;
	[smem:$0x74F] =	sst s13  }
0x32b: {  	s21 =	sadd.s32 s21, s22;
	s22 =	sld [smem:$0x716]  }
0x32c: {  	(v2sf) =	vpush v7, $0xF;
	[smem:$0x747] =	sst s21  }
0x32d: {  	s12 =	sadd.s32 s30, s12;
	s21 =	sld [smem:$0x715]  }
0x32e: {  	[smem:$0x750] =	sst s12  }
0x32f: {  	s12 =	rddreg [dreg:$0x6]  }
0x330: {  	s21 =	sadd.s32 s21, s22;
	s22 =	sld [smem:$0x718]  }
0x331: {  	s18 =	smul.u32 $0x14F8B589, s18;
	[smem:$0x74B] =	sst s21  }
0x332: {  	s15 =	smulhi.u32 $0x14F8B589, s5;
	s21 =	sld [smem:$0x717]  }
0x333: {  	s2 =	smulhi.u32 $0x14F8B589, s2;
	s13 =	rddreg [dreg:$0x7];
	v22 =	vsel vm7, s12, v22;
	s12 =	sshrl.u32 s17, $0x1F  }
0x334: {  	s1 =	smulhi.u32 $0x14F8B589, s1;
	s5 =	sshra.s32 s7, $0x1F;
	v28 =	vmov s12;
	s12 =	sld [smem:$0x725]  }
0x335: {  	s7 =	smulhi.u32 $0x14F8B589, s7;
	s21 =	sadd.s32 s21, s22;
	s22 =	sld [smem:$0x71A]  }
0x336: {  	s30 =	sadd.s32 s18, s11;
	s11 =	sshrl.u32 s10, $0x1F;
	[smem:$0x748] =	sst s21  }
0x337: {  	s18 =	sshrl.u32 s14, $0x1F;
	s28 =	smul.u32 $0x14F8B589, s5;
	s21 =	sld [smem:$0x719]  }
0x338: {  	[smem:$0x743] =	sst s0;
	s6 =	sshra.s32 s3, $0x1F;
	s3 =	smulhi.u32 $0x14F8B589, s3  }
0x339: {  	v21 =	vsel vm7, s11, v21;
	s11 =	sshra.s32 s17, $0x1F;
	s23 =	smul.u32 $0x14F8B589, s6;
	s5 =	spop (v2sf)  }
0x33a: {  	s4 =	smulhi.u32 $0x14F8B589, s4;
	s21 =	sadd.s32 s21, s22;
	s22 =	sld [smem:$0x71C]  }
0x33b: {  	s25 =	sadd.s32 s25, s1;
	s6 =	spop (v2sf);
	[smem:$0x749] =	sst s21  }
0x33c: {  	s0 =	sshra.s32 s5, $0x1F;
	s5 =	smulhi.u32 $0x14F8B589, s5;
	s21 =	sld [smem:$0x71B]  }
0x33d: {  	s1 =	sshra.s32 s20, $0xD;
	[smem:$0x744] =	sst s8;
	s8 =	smul.u32 $0x14F8B589, s0  }
0x33e: {  	s29 =	sadd.s32 s29, s2;
	s2 =	sshra.s32 s12, $0xD;
	s0 =	sshra.s32 s6, $0x1F  }
0x33f: {  	s16 =	sadd.s32 s8, s5;
	s21 =	sadd.s32 s21, s22;
	s22 =	sld [smem:$0x71D]  }
0x340: {  	s8 =	sshra.s32 s9, $0x1F;
	s5 =	sshra.s32 s14, $0xD;
	s14 =	sld [smem:$0x722]  }
0x341: {  	s6 =	smulhi.u32 $0x14F8B589, s6;
	s23 =	sadd.s32 s23, s3;
	v24 =	vsel vm15, s8, v19;
	s8 =	sld [smem:$0x721]  }
0x342: {  	s15 =	sadd.s32 s22, s15;
	s22 =	sadd.s32 s24, s4;
	s24 =	sld [smem:$0x720]  }
0x343: {  	s3 =	sshra.s32 s10, $0xD;
	s0 =	smul.u32 $0x14F8B589, s0;
	[smem:$0x74C] =	sst s15  }
0x344: {  	s15 =	sadd.s32 s28, s7;
	s7 =	sshrl.u32 s9, $0x1F;
	s9 =	sld [smem:$0x71E]  }
0x345: {  	s10 =	sshra.s32 s17, $0xD;
	s0 =	sadd.s32 s0, s6;
	s6 =	sld [smem:$0x728]  }
0x346: {  	v23 =	vsel vm7, s13, v23;
	[smem:$0x752] =	sst s0;
	s17 =	sshrl.u32 s14, $0x1F;
	s13 =	sshra.s32 s8, $0xD  }
0x347: {  	v20 =	vsel vm7, s3, v20;
	[smem:$0x74E] =	sst s21;
	s28 =	sshrl.u32 s24, $0x1F;
	s19 =	sshra.s32 s9, $0x1F  }
0x348: {  	s3 =	sshrl.u32 s8, $0x1F;
	s21 =	sshrl.u32 s20, $0x1F;
	v18 =	vsel vm6, s7, v18;
	v26 =	vmov s28;
	s28 =	sld [smem:$0x724];
	v19 =	vmov s19  }
0x349: {  	s0 =	sshra.s32 s6, $0xD;
	v56 =	vmov s21;
	s21 =	sshra.s32 s8, $0x1F;
	s19 =	sld [smem:$0x723];
	v25 =	vsel vm3, s10, v19;
	v19 =	vsel vm7, s18, v18  }
0x34a: {  	v18 =	vsel vm7, s5, v24;
	s5 =	sshra.s32 s24, $0xD;
	s18 =	sshra.s32 s14, $0xD;
	v55 =	vsel vm9, s11, v25;
	v25 =	vsel vm0, s17, v56;
	s17 =	sld [smem:$0x726]  }
0x34b: {  	s10 =	sshrl.u32 s6, $0x1F;
	s11 =	sshra.s32 s28, $0xD;
	v29 =	vmov s5;
	s5 =	sld [smem:$0x72C]  }
0x34c: {  	v24 =	vsel vm0, s13, v55;
	s20 =	sshrl.u32 s19, $0x1F;
	s24 =	sshra.s32 s19, $0xD;
	s19 =	sld [smem:$0x727]  }
0x34d: {  	v27 =	vmov s1;
	s14 =	sshra.s32 s28, $0x1F;
	s13 =	sshrl.u32 s12, $0x1F;
	s12 =	sld [smem:$0x729];
	v24 =	vsel vm10, s21, v24  }
0x34e: {  	v27 =	vsel vm0, s18, v27;
	v25 =	vsel vm1, s13, v25;
	s21 =	sshrl.u32 s28, $0x1F;
	v24 =	vsel vm1, s11, v24;
	s18 =	sshrl.u32 s17, $0x1F;
	s4 =	sshra.s32 s17, $0xD  }
0x34f: {  	v57 =	vsel vm2, s10, v25;
	s6 =	sshra.s32 s5, $0xD;
	s10 =	sshrl.u32 s5, $0x1F;
	v24 =	vsel vm11, s14, v24;
	s14 =	sld [smem:$0x72A]  }
0x350: {  	v28 =	vnsel vm3, $0x0, v28;
	v26 =	vsel vm0, s20, v26;
	v29 =	vsel vm0, s24, v29;
	s20 =	sshra.s32 s19, $0xD;
	s24 =	sshra.s32 s19, $0x1F;
	s28 =	smov.u32 s19  }
0x351: {  	v28 =	vsel vm0, s3, v28;
	s13 =	sshra.s32 s12, $0xD;
	v24 =	vsel vm2, s20, v24;
	s11 =	sshrl.u32 s28, $0x1F;
	s20 =	sld [smem:$0x72B]  }
0x352: {  	v12 =	vcombine.low v14, v12;
	v28 =	vsel vm1, s21, v28;
	v24 =	vsel vm12, s24, v24;
	s17 =	sshrl.u32 s14, $0x1F;
	s3 =	sshra.s32 s14, $0xD;
	s14 =	sld [smem:$0x72D]  }
0x353: {  	v26 =	vsel vm1, s18, v26;
	s18 =	sshra.s32 s12, $0x1F;
	s19 =	sshrl.u32 s12, $0x1F;
	s12 =	sshrl.u32 s9, $0x1F;
	v28 =	vsel vm2, s11, v28;
	v24 =	vsel vm4, s13, v24  }
0x354: {  	v14 =	vcombine.low v17, v15;
	s11 =	sshra.s32 s5, $0x1F;
	v59 =	vsel vm4, s19, v28;
	s19 =	sld [smem:$0x730];
	v30 =	vsel vm13, s18, v24;
	s21 =	sshra.s32 s20, $0xD  }
0x355: {  	v13 =	vperm.xlane v13, v0;
	s28 =	sshrl.u32 s20, $0x1F;
	v58 =	vsel vm2, s17, v26;
	v30 =	vsel vm5, s21, v30;
	s21 =	sld [smem:$0x72F];
	s17 =	sshra.s32 s14, $0xD  }
0x356: {  	v11 =	vperm.xlane v11, v0;
	v10 =	vperm.xlane v10, v0;
	v26 =	vsel vm5, s28, v59;
	s18 =	sshra.s32 s14, $0x1F;
	s5 =	sshrl.u32 s14, $0x1F;
	s14 =	sld [smem:$0x72E]  }
0x357: {  	v16 =	vperm.xlane v16, v0;
	v12 =	vperm.xlane v12, v0;
	s13 =	sshra.s32 s9, $0xD;
	s9 =	sld [smem:$0x731];
	s24 =	sshra.s32 s20, $0x1F;
	v26 =	vsel vm6, s10, v26  }
0x358: {  	v27 =	vsel vm1, s2, v27;
	v30 =	vsel vm14, s24, v30;
	v26 =	vsel vm7, s12, v26;
	s12 =	sld [smem:$0x732];
	s24 =	sshra.s32 s21, $0xD  }
0x359: {  	v60 =	vsel vm2, s0, v27;
	s8 =	sshra.s32 s19, $0x1F;
	v61 =	vsel vm6, s6, v30;
	s20 =	sshra.s32 s14, $0x1F;
	v9 =	vsel vm3, s24, v9;
	s24 =	sld [smem:$0x734]  }
0x35a: {  	s10 =	sshra.s32 s9, $0xD;
	s2 =	sshrl.u32 s9, $0x1F;
	v31 =	vmov s8;
	v27 =	vsel vm15, s11, v61;
	s28 =	sshra.s32 s21, $0x1F;
	v62 =	vmov s20  }
0x35b: {  	s11 =	sshra.s32 s9, $0x1F;
	v31 =	vsel vm3, s10, v31;
	s10 =	sld [smem:$0x735];
	v27 =	vsel vm7, s13, v27;
	s13 =	sshra.s32 s12, $0xD;
	v30 =	vsel vm3, s17, v62  }
0x35c: {  	v14 =	vperm.xlane v14, v0;
	v9 =	vsel vm9, s28, v9;
	s17 =	sshra.s32 s12, $0x1F;
	v30 =	vsel vm9, s18, v30;
	s18 =	sld [smem:$0x733];
	s28 =	sshra.s32 s24, $0xD  }
0x35d: {  	v29 =	vsel vm1, s4, v29;
	v31 =	vsel vm9, s11, v31;
	s9 =	sshra.s32 s24, $0x1F;
	s4 =	sshrl.u32 s24, $0x1F;
	s24 =	sld [smem:$0x737];
	v30 =	vsel vm0, s13, v30  }
0x35e: {  	v15 =	vperm.xlane v23, v1;
	s1 =	sshrl.u32 s21, $0x1F;
	s6 =	sshrl.u32 s12, $0x1F;
	v31 =	vsel vm0, s28, v31;
	v30 =	vsel vm10, s17, v30;
	s17 =	sld [smem:$0x736]  }
0x35f: {  	v21 =	vperm.xlane v21, v1;
	v17 =	vperm.xlane v22, v1;
	s12 =	sshra.s32 s10, $0xD;
	s0 =	sshrl.u32 s10, $0x1F;
	v31 =	vsel vm10, s9, v31;
	s9 =	sld [smem:$0x738]  }
0x360: {  	v15 =	vsel vm8, v15, v16;
	v29 =	vsel vm2, s3, v29;
	v34 =	vmov s2;
	s20 =	sshra.s32 s18, $0xD;
	s21 =	sshra.s32 s18, $0x1F;
	s3 =	sshrl.u32 s18, $0x1F  }
0x361: {  	v13 =	vsel vm8, v21, v13;
	v34 =	vnsel vm3, $0x0, v34;
	v30 =	vsel vm1, s12, v30;
	s18 =	sshra.s32 s24, $0xD;
	s28 =	sshra.s32 s24, $0x1F;
	s12 =	sld [smem:$0x739]  }
0x362: {  	v34 =	vsel vm0, s4, v34;
	s4 =	sshrl.u32 s24, $0x1F;
	s24 =	sld [smem:$0x742];
	v9 =	vsel vm0, s20, v9;
	s20 =	sshra.s32 s10, $0x1F;
	v31 =	vsel vm1, s18, v31  }
0x363: {  	(v2sf) =	vpush v7, $0xB;
	v9 =	vsel vm10, s21, v9;
	s13 =	sshra.s32 s17, $0xD;
	s21 =	sshra.s32 s17, $0x1F;
	v31 =	vsel vm11, s28, v31;
	s28 =	sld [smem:$0x73A]  }
0x364: {  	v10 =	vsel vm8, v17, v10;
	v32 =	vmov s5;
	v30 =	vsel vm11, s20, v30;
	s5 =	sshrl.u32 s9, $0x1F;
	s20 =	sld [smem:$0x73C];
	s10 =	sshra.s32 s12, $0xD  }
0x365: {  	v10 =	vadd.s32 v10, v15;
	v33 =	vmov s1;
	v9 =	vsel vm1, s13, v9;
	s8 =	sshra.s32 s12, $0x1F;
	s1 =	smov.u32 s12;
	s12 =	sld [smem:$0x73D]  }
0x366: {  	v10 =	vmul.u32 $0x186A0, v10;
	v20 =	vperm.xlane v20, v1;
	s2 =	sshrl.u32 s17, $0x1F;
	s13 =	sshra.s32 s9, $0xD;
	v9 =	vsel vm11, s21, v9;
	s21 =	sld [smem:$0x73B]  }
0x367: {  	(v2sf) =	vpush v7, $0x6;
	v33 =	vnsel vm3, $0x0, v33;
	v37 =	vmov s13;
	s1 =	sshrl.u32 s1, $0x1F;
	s13 =	sld [smem:$0x745];
	s11 =	sshra.s32 s28, $0xD  }
0x368: {  	v3 =	vsub.s32 v3, v10;
	v11 =	vsel vm8, v20, v11;
	v33 =	vsel vm0, s3, v33;
	s9 =	sshrl.u32 s20, $0x1F;
	s7 =	sshra.s32 s20, $0xD;
	s20 =	sld [smem:$0x73E]  }
0x369: {  	v30 =	vsel vm2, s10, v30;
	s10 =	sshra.s32 s28, $0x1F;
	v9 =	vsel vm2, s11, v9;
	v36 =	vmov s9;
	s9 =	sld [smem:$0x743];
	s18 =	sshra.s32 s21, $0xD  }
0x36a: {  	v33 =	vsel vm1, s2, v33;
	v9 =	vsel vm12, s10, v9;
	s10 =	sshrl.u32 s12, $0x1F;
	s2 =	sshrl.u32 s13, $0x1F;
	v31 =	vsel vm2, s18, v31;
	s18 =	sld [smem:$0x73F]  }
0x36b: {  	v11 =	vadd.s32 v13, v11;
	v30 =	vsel vm12, s8, v30;
	s17 =	sshra.s32 s20, $0xD;
	v39 =	vmov s10;
	s10 =	sshra.s32 s13, $0xD;
	s13 =	sld [smem:$0x747]  }
0x36c: {  	v11 =	vmul.u32 $0x186A0, v11;
	v35 =	vmov s5;
	s11 =	sshra.s32 s21, $0x1F;
	v30 =	vsel vm4, s17, v30;
	s17 =	sld [smem:$0x740];
	s5 =	sshra.s32 s9, $0xD  }
0x36d: {  	v19 =	vperm.xlane v19, v1;
	v32 =	vnsel vm3, $0x0, v32;
	v31 =	vsel vm12, s11, v31;
	s11 =	sshrl.u32 s18, $0x1F;
	s3 =	sshra.s32 s18, $0xD;
	s18 =	sld [smem:$0x741]  }
0x36e: {  	v18 =	vperm.xlane v18, v1;
	v32 =	vsel vm0, s6, v32;
	s6 =	sshra.s32 s12, $0xD;
	v46 =	vmov s5;
	s5 =	sshrl.u32 s21, $0x1F;
	s21 =	sld [smem:$0x74A]  }
0x36f: {  	v32 =	vsel vm1, s0, v32;
	v34 =	vsel vm1, s4, v34;
	s0 =	sshrl.u32 s9, $0x1F;
	v42 =	vmov s3;
	s3 =	sshrl.u32 s28, $0x1F;
	s28 =	sld [smem:$0x746]  }
0x370: {  	v4 =	vsub.s32 v4, v11;
	v12 =	vsel vm8, v19, v12;
	v34 =	vsel vm2, s5, v34;
	s5 =	sld [smem:$0x74F];
	s8 =	sshra.s32 s17, $0xD;
	s12 =	sshra.s32 s18, $0xD  }
0x371: {  	v14 =	vsel vm8, v18, v14;
	v9 =	vsel vm4, s8, v9;
	s8 =	sshrl.u32 s24, $0x1F;
	v31 =	vsel vm4, s12, v31;
	s12 =	sshra.s32 s24, $0xD;
	s24 =	sshra.s32 s20, $0x1F  }
0x372: {  	v12 =	vadd.s32 v12, v14;
	v41 =	vmov s6;
	v40 =	vmov s11;
	s6 =	sshrl.u32 s28, $0x1F;
	s11 =	sshra.s32 s28, $0xD;
	s28 =	sld [smem:$0x748]  }
0x373: {  	v12 =	vmul.u32 $0x186A0, v12;
	v44 =	vmov s0;
	s0 =	sshrl.u32 s13, $0x1F;
	s4 =	sshra.s32 s13, $0xD;
	v30 =	vsel vm13, s24, v30;
	s24 =	sld [smem:$0x744]  }
0x374: {  	v32 =	vsel vm2, s1, v32;
	v39 =	vsel vm0, s6, v39;
	s6 =	sshrl.u32 s20, $0x1F;
	s20 =	sshra.s32 s21, $0xD;
	v41 =	vsel vm0, s11, v41;
	s11 =	sld [smem:$0x74E]  }
0x375: {  	v43 =	vmov s8;
	v30 =	vsel vm5, s20, v30;
	s20 =	sld [smem:$0x74B];
	v32 =	vsel vm4, s6, v32;
	s6 =	sshra.s32 s30, $0xD;
	s8 =	sshrl.u32 s28, $0x1F  }
0x376: {  	v2 =	vsub.s32 v2, v12;
	v38 =	vmov s7;
	v45 =	vmov s12;
	s12 =	sshra.s32 s28, $0xD;
	s28 =	sld [smem:$0x74C];
	s7 =	sshrl.u32 s24, $0x1F  }
0x377: {  	v13 =	vcombine.low v58, v57;
	v15 =	vcombine.low v29, v60;
	s9 =	sshra.s32 s24, $0xD;
	s24 =	sshra.s32 s17, $0x1F;
	v45 =	vsel vm0, s12, v45;
	s12 =	sshra.s32 s21, $0x1F  }
0x378: {  	v43 =	vsel vm0, s8, v43;
	s8 =	sshrl.u32 s25, $0x1F;
	v9 =	vsel vm13, s24, v9;
	s24 =	sshra.s32 s18, $0x1F;
	v35 =	vsel vm0, s7, v35;
	s7 =	sld [smem:$0x749]  }
0x379: {  	v33 =	vsel vm2, s3, v33;
	v37 =	vsel vm0, s9, v37;
	v31 =	vsel vm13, s24, v31;
	s9 =	sshrl.u32 s28, $0x1F;
	s3 =	sshra.s32 s28, $0xD;
	s28 =	sshra.s32 s11, $0xD  }
0x37a: {  	v13 =	vperm.xlane v13, v0;
	v30 =	vsel vm14, s12, v30;
	s12 =	sshra.s32 s11, $0x1F;
	s24 =	sshra.s32 s20, $0xD;
	v31 =	vsel vm5, s28, v31;
	s28 =	sshrl.u32 s18, $0x1F  }
0x37b: {  	v15 =	vperm.xlane v15, v0;
	v20 =	vperm.xlane v26, v1;
	v35 =	vsel vm1, s9, v35;
	s9 =	sshrl.u32 s5, $0x1F;
	s18 =	sshra.s32 s5, $0xD;
	s1 =	sshrl.u32 s7, $0x1F  }
0x37c: {  	v21 =	vperm.xlane v27, v1;
	v36 =	vsel vm0, s2, v36;
	s2 =	sshra.s32 s7, $0xD;
	s7 =	spop (v2sf);
	v34 =	vsel vm4, s28, v34;
	s28 =	sshrl.u32 s30, $0x1F  }
0x37d: {  	v31 =	vsel vm14, s12, v31;
	v39 =	vsel vm1, s9, v39;
	v41 =	vsel vm1, s18, v41;
	s9 =	sshrl.u32 s21, $0x1F;
	s12 =	sshra.s32 s15, $0xD;
	s18 =	sshrl.u32 s23, $0x1F  }
0x37e: {  	v13 =	vsel vm8, v20, v13;
	v15 =	vsel vm8, v21, v15;
	v42 =	vsel vm0, s4, v42;
	s13 =	sshra.s32 s7, $0x1F;
	s4 =	spop (v2sf);
	s7 =	smulhi.u32 $0x14F8B589, s7  }
0x37f: {  	v13 =	vadd.s32 v13, v15;
	v38 =	vsel vm0, s10, v38;
	v40 =	vsel vm0, s0, v40;
	s23 =	sshra.s32 s23, $0xD;
	s0 =	smul.u32 $0x14F8B589, s13;
	s13 =	sld [smem:$0x74D]  }
0x380: {  	v45 =	vsel vm1, s6, v45;
	v9 =	vsel vm5, s24, v9;
	v43 =	vsel vm1, s28, v43;
	s28 =	sld [smem:$0x752];
	s24 =	sshra.s32 s4, $0x1F;
	s4 =	smulhi.u32 $0x14F8B589, s4  }
0x381: {  	v37 =	vsel vm1, s3, v37;
	v44 =	vsel vm0, s1, v44;
	v46 =	vsel vm0, s2, v46;
	s2 =	smul.u32 $0x14F8B589, s24;
	s24 =	sshrl.u32 s17, $0x1F;
	s3 =	sadd.s32 s0, s7  }
0x382: {  	v32 =	vsel vm5, s9, v32;
	v30 =	vsel vm6, s12, v30;
	v39 =	vsel vm2, s18, v39;
	s7 =	sshrl.u32 s29, $0x1F;
	s10 =	sshrl.u32 s13, $0x1F;
	s1 =	sshra.s32 s13, $0xD  }
0x383: {  	v41 =	vsel vm2, s23, v41;
	v33 =	vsel vm4, s24, v33;
	s13 =	sshra.s32 s20, $0x1F;
	s0 =	sadd.s32 s2, s4;
	s2 =	sld [smem:$0x751];
	v35 =	vsel vm2, s7, v35  }
0x384: {  	s7 =	sshra.s32 s28, $0xD;
	v9 =	vsel vm14, s13, v9;
	v36 =	vsel vm1, s10, v36;
	s13 =	sld [smem:$0x750];
	v38 =	vsel vm1, s1, v38;
	s10 =	sshra.s32 s29, $0xD  }
0x385: {  	s29 =	sshrl.u32 s28, $0x1F;
	s30 =	sshra.s32 s0, $0xD;
	v45 =	vsel vm2, s7, v45;
	v36 =	vsel vm2, s8, v36;
	v37 =	vsel vm2, s10, v37;
	s8 =	sshra.s32 s15, $0x1F  }
0x386: {  	v31 =	vsel vm6, s30, v31;
	v43 =	vsel vm2, s29, v43;
	s5 =	sshrl.u32 s2, $0x1F;
	s4 =	sshra.s32 s2, $0xD;
	v30 =	vsel vm15, s8, v30  }
0x387: {  	v16 =	vcombine.low v36, v35;
	s17 =	sshrl.u32 s13, $0x1F;
	s24 =	sshra.s32 s13, $0xD;
	v44 =	vsel vm1, s5, v44;
	v46 =	vsel vm1, s4, v46;
	s13 =	sshrl.u32 s20, $0x1F  }
0x388: {  	s6 =	sshrl.u32 s3, $0x1F;
	s3 =	sshra.s32 s3, $0xD;
	s20 =	sshra.s32 s16, $0xD;
	v40 =	vsel vm1, s17, v40;
	v42 =	vsel vm1, s24, v42;
	v33 =	vsel vm5, s13, v33  }
0x389: {  	s21 =	sshrl.u32 s22, $0x1F;
	s9 =	sshrl.u32 s16, $0x1F;
	s17 =	sshra.s32 s25, $0xD;
	v9 =	vsel vm6, s20, v9;
	v44 =	vsel vm2, s6, v44;
	v46 =	vsel vm2, s3, v46  }
0x38a: {  	s10 =	sshra.s32 s16, $0x1F;
	s24 =	sshrl.u32 s11, $0x1F;
	s25 =	sshra.s32 s22, $0xD;
	v12 =	vperm.xlane v16, v0;
	v38 =	vsel vm2, s17, v38;
	v40 =	vsel vm2, s21, v40  }
0x38b: {  	s13 =	sshrl.u32 s15, $0x1F;
	s15 =	sshrl.u32 s0, $0x1F;
	s0 =	sshra.s32 s0, $0x1F;
	v34 =	vsel vm5, s24, v34;
	v42 =	vsel vm2, s25, v42;
	v33 =	vsel vm6, s9, v33  }
0x38c: {  	s11 =	sshrl.u32 s31, $0x1F;
	v9 =	vsel vm15, s10, v9;
	v32 =	vsel vm6, s13, v32;
	v22 =	vsel vm15, s0, v31  }
0x38d: {  	s12 =	sshra.s32 s31, $0xD;
	v11 =	vcombine.low v44, v43;
	v19 =	vcombine.low v46, v45;
	v33 =	vsel vm7, s11, v33  }
0x38e: {  	s16 =	sshrl.u32 s14, $0x1F;
	v9 =	vsel vm7, s12, v9;
	v17 =	vcombine.low v38, v37;
	v14 =	vcombine.low v40, v39  }
0x38f: {  	s17 =	sshra.s32 s14, $0xD;
	v23 =	vsel vm7, s16, v32;
	v18 =	vcombine.low v42, v41;
	v9 =	vperm.xlane v9, v1  }
0x390: {  	s20 =	sshra.s32 s19, $0xD;
	v30 =	vsel vm7, s17, v30;
	v10 =	vperm.xlane v33, v1;
	v16 =	vperm.xlane v23, v1  }
0x391: {  	v22 =	vsel vm7, s20, v22;
	v20 =	vperm.xlane v30, v1;
	v11 =	vperm.xlane v11, v0  }
0x392: {  	s18 =	sshrl.u32 s19, $0x1F;
	v34 =	vsel vm6, s15, v34;
	v19 =	vperm.xlane v19, v0;
	v21 =	vperm.xlane v22, v1  }
0x393: {  	v63 =	vsel vm7, s18, v34;
	v17 =	vperm.xlane v17, v0;
	v14 =	vperm.xlane v14, v0  }
0x394: {  	v13 =	vmul.u32 $0x186A0, v13;
	v18 =	vperm.xlane v18, v0;
	v15 =	vperm.xlane v63, v1  }
0x395: {  	s21 =	rddreg [dreg:$0x3];
	v12 =	vsel vm8, v16, v12;
	v17 =	vsel vm8, v20, v17;
	v10 =	vsel vm8, v10, v14  }
0x396: {  	[tilespmem:s21+$0x280] =	vst v4;
	v4 =	vsel vm8, v9, v18;
	v9 =	vsel vm8, v15, v11;
	v11 =	vadd.s32 v12, v17  }
0x397: {  	[tilespmem:s21+$0x180] =	vst v3;
	v3 =	vsel vm8, v21, v19;
	v4 =	vadd.s32 v10, v4;
	v10 =	vmul.u32 $0x186A0, v11  }
0x398: {  	[tilespmem:s21+$0x200] =	vst v2;
	v2 =	vsub.s32 v5, v13;
	v3 =	vadd.s32 v9, v3;
	v4 =	vmul.u32 $0x186A0, v4  }
0x399: {  	[tilespmem:s26+$0x300] =	vst v2;
	v2 =	vmul.u32 $0x186A0, v3;
	v3 =	vsub.s32 v8, v10  }
0x39a: {  	s22 =	sld [smem:$0x7FB];
	v4 =	vsub.s32 v6, v4;
	[tilespmem:s26+$0x280] =	vst v3  }
0x39b: {  	v2 =	vsub.s32 v7, v2;
	[tilespmem:s26+$0x180] =	vst v4  }
0x39c: {  	s23 =	simm.s32 $0x180;
	s4 =	simm.s32 $0x80;
	s3 =	simm.s32 $0x380;
	[tilespmem:s26+$0x200] =	vst v2  }
0x39d: {  	[tilespmem:s3], [sflag:$0x1] =	stream.indirect.gather [hbm4b:s22+s4], $0x70, s23, s4, $0xb8;
	[tilespmem:$0xE380] =	vst v63  }
0x39e: {  	s24 =	simm.s32 $0x200;
	s25 =	simm.s32 $0x3B80  }
0x39f: {  	[tilespmem:s25], [sflag:$0x1] =	stream.indirect.gather [hbm4b:s22+s4], $0x70, s24, s4, $0xb8;
	[tilespmem:$0xE380] =	vst v63  }
0x3a0: {  	s28 =	simm.s32 $0x7380;
	s26 =	simm.s32 $0x280  }
0x3a1: {  	[tilespmem:s28], [sflag:$0x1] =	stream.indirect.gather [hbm4b:s22+s4], $0x70, s26, s4, $0xb8;
	[tilespmem:$0xE380] =	vst v63  }
0x3a2: {  	s29 =	simm.s32 $0x300;
	s30 =	simm.s32 $0xAB80;
	s31 =	simm.s32 $0x1  }
0x3a3: {  	[tilespmem:s30], [sflag:$0x1] =	stream.indirect.gather [hbm4b:s22+s4], $0x70, s29, s4, $0xb8;
	[tilespmem:$0xE380] =	vst v63  }
0x3a4: {  	_ =	swait.ge [sflag:s31], $0x3800  }
0x3a5: {  	[sflag:s31] =	ssyncset.done $0x0  }
0x3a6: {  	[sflag:s31] =	ssyncadd.s32 $0xFFFFC800  }
0x3a7: {  	_ =	swait.ge [sflag:s31], $0x3800  }
0x3a8: {  	[sflag:s31] =	ssyncset.done $0x0  }
0x3a9: {  	[sflag:s31] =	ssyncadd.s32 $0xFFFFC800  }
0x3aa: {  	_ =	swait.ge [sflag:s31], $0x3800  }
0x3ab: {  	[sflag:s31] =	ssyncset.done $0x0  }
0x3ac: {  	[sflag:s31] =	ssyncadd.s32 $0xFFFFC800  }
0x3ad: {  	_ =	swait.ge [sflag:s31], $0x3800  }
0x3ae: {  	[sflag:s31] =	ssyncset.done $0x0  }
0x3af: {  	s0 =	simm.s32 $0x0;
	[sflag:s31] =	ssyncadd.s32 $0xFFFFC800  }
0x3b0: {  	v6 =	vld [tilespmem:s0+$0xAB80]  }
0x3b1: {  	v5 =	vld [tilespmem:s0+$0xAB90]  }
0x3b2: {  	v4 =	vld [tilespmem:s0+$0xABA0]  }
0x3b3: {  	v3 =	vld [tilespmem:s0+$0xABB0]  }
0x3b4: {  	v2 =	vld [tilespmem:s0+$0xABC0]  }
0x3b5: {  	v15 =	vld [tilespmem:s0+$0x7380]  }
0x3b6: {  	v10 =	vld [tilespmem:s0+$0x7390]  }
0x3b7: {  	v9 =	vld [tilespmem:s0+$0x73A0]  }
0x3b8: {  	v8 =	vld [tilespmem:s0+$0x73B0]  }
0x3b9: {  	v7 =	vld [tilespmem:s0+$0x73C0]  }
0x3ba: {  	v16 =	vld [tilespmem:s0+$0x3B80]  }
0x3bb: {  	v18 =	vld [tilespmem:s0+$0x3B90]  }
0x3bc: {  	v20 =	vld [tilespmem:s0+$0x3BA0]  }
0x3bd: {  	v13 =	vld [tilespmem:s0+$0x3BB0]  }
0x3be: {  	v12 =	vld [tilespmem:s0+$0x3BC0]  }
0x3bf: {  	v17 =	vld [tilespmem:s0+$0x380]  }
0x3c0: {  	v19 =	vld [tilespmem:s0+$0x390]  }
0x3c1: {  	v21 =	vld [tilespmem:s0+$0x3A0]  }
0x3c2: {  	v14 =	vld [tilespmem:s0+$0x3BD0]  }
0x3c3: {  	v11 =	vld [tilespmem:s0+$0x3BE0]  }
0x3c4: {  	v22 =	vadd.f32 v16, v17;
	v17 =	vld [tilespmem:s0+$0x3B0]  }
0x3c5: {  	v18 =	vadd.f32 v18, v19;
	v16 =	vld [tilespmem:s0+$0x3C0]  }
0x3c6: {  	s1 =	simm.s32 $0x1C0;
	v20 =	vadd.f32 v20, v21;
	v19 =	vadd.f32 v15, v22;
	v15 =	vld [tilespmem:s0+$0x3D0]  }
.LBB2_5:
0x3c7: {  	p0 =	sne.s32 s1, $0xDE40;
	v10 =	vadd.f32 v10, v18;
	v18 =	vld [tilespmem:s0+$0x3E0]  }
0x3c8: {  	v19 =	vadd.f32 v6, v19;
	v6 =	vadd.f32 v9, v20;
	v9 =	vld [tilespmem:s0+$0x73D0]  }
0x3c9: {  	v10 =	vadd.f32 v5, v10;
	v5 =	vadd.f32 v13, v17;
	v13 =	vld [tilespmem:s0+$0x73E0]  }
0x3ca: {  	v17 =	vadd.f32 v4, v6;
	v4 =	vadd.f32 v12, v16;
	v12 =	vld [tilespmem:s0+$0xABD0]  }
0x3cb: {  	s2 =	sshra.s32 s1, $0x2;
	v8 =	vadd.f32 v8, v5;
	v14 =	vadd.f32 v14, v15;
	v15 =	vld [tilespmem:s0+$0xABE0]  }
0x3cc: {  	v6 =	vld [tilespmem:s2+$0xAB80];
	[tilespmem:s0+$0x380] =	vst v19;
	v7 =	vadd.f32 v7, v4;
	v11 =	vadd.f32 v11, v18  }
0x3cd: {  	v5 =	vld [tilespmem:s2+$0xAB90];
	[tilespmem:s0+$0x390] =	vst v10;
	v8 =	vadd.f32 v3, v8;
	v9 =	vadd.f32 v9, v14  }
0x3ce: {  	v4 =	vld [tilespmem:s2+$0xABA0];
	[tilespmem:s0+$0x3A0] =	vst v17;
	v7 =	vadd.f32 v2, v7;
	v10 =	vadd.f32 v13, v11  }
0x3cf: {  	v3 =	vld [tilespmem:s2+$0xABB0];
	[tilespmem:s0+$0x3B0] =	vst v8;
	v8 =	vadd.f32 v12, v9  }
0x3d0: {  	v2 =	vld [tilespmem:s2+$0xABC0];
	[tilespmem:s0+$0x3C0] =	vst v7;
	v7 =	vadd.f32 v15, v10  }
0x3d1: {  	v15 =	vld [tilespmem:s2+$0x7380];
	[tilespmem:s0+$0x3D0] =	vst v8  }
0x3d2: {  	v10 =	vld [tilespmem:s2+$0x7390];
	[tilespmem:s0+$0x3E0] =	vst v7;
	s0 =	smov.u32 s2  }
0x3d3: {  	v9 =	vld [tilespmem:s0+$0x73A0]  }
0x3d4: {  	v8 =	vld [tilespmem:s0+$0x73B0]  }
0x3d5: {  	v7 =	vld [tilespmem:s0+$0x73C0]  }
0x3d6: {  	v16 =	vld [tilespmem:s0+$0x3B80]  }
0x3d7: {  	v18 =	vld [tilespmem:s0+$0x3B90]  }
0x3d8: {  	v20 =	vld [tilespmem:s0+$0x3BA0]  }
0x3d9: {  	v13 =	vld [tilespmem:s0+$0x3BB0]  }
0x3da: {  	v12 =	vld [tilespmem:s0+$0x3BC0]  }
0x3db: {  	v17 =	vld [tilespmem:s0+$0x380]  }
0x3dc: {  	v19 =	vld [tilespmem:s0+$0x390]  }
0x3dd: {  	v21 =	vld [tilespmem:s0+$0x3A0]  }
.Ltmp1:
0x3de: {  	v14 =	vld [tilespmem:s0+$0x3BD0];
	(pc) =	sbr.rel @p0 .LBB2_5-.Ltmp1, $4  }
0x3df: {  	v11 =	vld [tilespmem:s0+$0x3BE0]  }
0x3e0: {  	v22 =	vadd.f32 v16, v17;
	v17 =	vld [tilespmem:s0+$0x3B0]  }
0x3e1: {  	v18 =	vadd.f32 v18, v19;
	v16 =	vld [tilespmem:s0+$0x3C0]  }
0x3e2: {  	s1 =	sadd.s32 $0x1C0, s1;
	v19 =	vadd.f32 v15, v22;
	v20 =	vadd.f32 v20, v21;
	v15 =	vld [tilespmem:s0+$0x3D0]  }
0x3e3: {  	v10 =	vadd.f32 v10, v18;
	v52 =	vld [tilespmem:s0+$0x3E0]  }
0x3e4: {  	v53 =	vld [tilespmem:s0+$0x73D0];
	v6 =	vadd.f32 v6, v19;
	v9 =	vadd.f32 v9, v20  }
0x3e5: {  	v55 =	vld [tilespmem:s0+$0x73E0];
	v5 =	vadd.f32 v5, v10;
	v54 =	vadd.f32 v13, v17  }
0x3e6: {  	v57 =	vld [tilespmem:s0+$0xABD0];
	v4 =	vadd.f32 v4, v9;
	v56 =	vadd.f32 v12, v16  }
0x3e7: {  	v59 =	vld [tilespmem:s0+$0xABE0];
	v8 =	vadd.f32 v8, v54;
	v58 =	vadd.f32 v14, v15  }
0x3e8: {  	[tilespmem:s0+$0x380] =	vst v6;
	v60 =	vadd.f32 v7, v56;
	v61 =	vadd.f32 v11, v52  }
0x3e9: {  	s1 =	sld [smem:$0x796];
	[tilespmem:s0+$0x390] =	vst v5;
	v3 =	vadd.f32 v3, v8;
	v62 =	vadd.f32 v53, v58  }
0x3ea: {  	[tilespmem:s0+$0x3A0] =	vst v4;
	v2 =	vadd.f32 v2, v60;
	v63 =	vadd.f32 v55, v61  }
0x3eb: {  	[tilespmem:s0+$0x3B0] =	vst v3;
	v3 =	vadd.f32 v57, v62  }
0x3ec: {  	s1 =	smul.u32 $0xE, s1;
	[tilespmem:s0+$0x3C0] =	vst v2;
	v2 =	vadd.f32 v59, v63  }
0x3ed: {  	s29 =	rddreg [dreg:$0x1];
	[tilespmem:s0+$0x3D0] =	vst v3  }
0x3ee: {  	s30 =	simm.s32 $0x0;
	[tilespmem:s0+$0x3E0] =	vst v2;
	s0 =	sadd.s32 s29, s1  }
0x3ef: {  	[hbm4b:s0+s30] =	stream.linear.scatter [tilespmem:s3], [sflag:$0x2], $0x3800, $0x38;
	[tilespmem:$0xE380] =	vst v63  }
0x3f0: {  	s3 =	simm.s32 $0x2  }
0x3f1: {  	_ =	swait.ge [sflag:s3], $0x3800  }
0x3f2: {  	s31 =	sld [smem:$0x795];
	_ =	sdelay $0x2  }
0x3f3: {  	s0 =	sadd.s32 $0x1, s31  }
0x3f4: {  	p0 =	sne.s32 s0, $0x8  }
.Ltmp2:
0x3f5: {  	_ = 	snop;
	(pc) =	sbr.rel @p0 .LBB2_2-.Ltmp2, $3  }
0x3f6: {  	_ =	sdelay $0x1  }
0x3f7: {  	[sflag:s3] =	ssyncset.done $0x0  }
0x3f8: {  	[sflag:s3] =	ssyncadd.s32 $0xFFFFC800  }
0x3f9: {  	s1 =	sld [smem:$0x7F7]  }
0x3fa: {  	s0 =	sld [smem:$0x7FD];
	_ =	sdelay $0x1  }
0x3fb: {  	s1 =	sadd.s32 $0x1, s1  }
0x3fc: {  	p0 =	sne.s32 s1, s0  }
.Ltmp3:
0x3fd: {  	_ = 	snop;
	(pc) =	sbr.rel @p0 .LBB2_1-.Ltmp3, $1  }
0x3fe: {  	_ =	sdelay $0x3  }
0x3ff: {  	_ =	sfence.sel $0x180000  }
0x400: {  	[bflag:$0x0] =	sbarrier.arrive $0xFFFF  }
0x401: {  	_ =	strace $0x90000047  }
0x402: {  	s0 =	stileid.u32;
	[bflag:$0x2] =	sbarrier.arrive $0xFFFF  }
0x403: {  	p0 =	sne.s32 s0, $0x0;
	s0 =	rddreg [dreg:$0x2]  }
0x404: {  	s0 =	sadd.s32 @!p0 $0x100000, s0  }
0x405: {  	[sflag:s0] =	ssyncadd.tile.s32 @!p0 $0x1;
	_ =	shalt  }
.Lfunc_end2:
_tile_overlayer_lowered:
.L_overlay_start_2:
0x406: {  	(tag) =	ssettag $0x2  }
0x407: {  	s0 =	rddreg [dreg:$0x0];
	s2 =	stileid.u32  }
0x408: {  	s1 =	rddreg [dreg:$0x1];
	p0 =	sne.s32 s2, $0x0  }
0x409: {  	s3 =	rddreg [dreg:$0x2];
	[bflag:$0x3] =	sbarrier.arrive $0xFFFF;
	s2 =	simm.s32 @!p0 $0x1C02  }
0x40a: {  	[timem:s3], [sflag:s2] =	dma.local @!p0 [hbm:s0], s1  }
0x40b: {  	s0 =	simm.s32 @!p0 $0x2  }
0x40c: {  	_ =	swait.ge @!p0 [sflag:s0], s1  }
0x40d: {  	s1 =	ssub.s32 @!p0 $0x0, s1;
	[sflag:s0] =	ssyncset.done @!p0 $0x0  }
0x40e: {  	[sflag:s0] =	ssyncadd.s32 @!p0 s1  }
0x40f: {  	[bflag:$0x3] =	sbarrier.arrive $0xFFFF  }
0x410: {  	_ =	shalt  }

</sc_bundles>
